<compile_context>
chip_gen: v7x
topology: tpu7x:2x2x1
jax: 0.10.2.dev20260603
libtpu: 0.0.44.dev20260713+nightly
codegen_flags: <defaults>
</compile_context>

<pallas_src>
import functools

import jax
import jax.numpy as jnp
from jax import lax
from jax.experimental import pallas as pl
from jax.experimental.pallas import tpu as pltpu
from jax.experimental.pallas import tpu_sc as plsc

N = 10000
F = 128
HID = 128
OUT = 3
G = 64
E = 320000

NC = 2
NS = 16
NW = NC * NS
L = 16

CHUNK = 64
NBUF = 4
NP = 10240
EPW = NP
E_PAD = NW * EPW
TOT_CHUNKS = E_PAD // CHUNK
CPT = TOT_CHUNKS // NW
SLAB = 16
RPT = NP // NS

BLK = 2048
NBLK = NP // BLK


EPW_D = E // NW
DCH = 400


def _sc_deg_body(ei_hbm, parts_hbm, col_v, deg_v):
    c = lax.axis_index("c")
    s = lax.axis_index("s")
    wid = s * NC + c

    def zero(i, _):
        deg_v[pl.ds(i * L, L)] = jnp.zeros((L,), jnp.float32)
        return 0

    lax.fori_loop(0, NP // L, zero, 0)

    ones = jnp.ones((L,), jnp.float32)

    def outer(t, _):
        pltpu.sync_copy(ei_hbm.at[pl.ds(E + wid * EPW_D + t * DCH, DCH)],
                        col_v)

        def body(k, _):
            idx = col_v[pl.ds(k * L, L)]
            plsc.addupdate_scatter(deg_v, [idx], ones)
            return 0

        lax.fori_loop(0, DCH // L, body, 0)
        return 0

    lax.fori_loop(0, EPW_D // DCH, outer, 0)
    pltpu.sync_copy(deg_v, parts_hbm.at[wid])


def _sc_degree(edge_index):
    mesh = plsc.VectorSubcoreMesh(core_axis_name="c", subcore_axis_name="s")
    return pl.kernel(
        _sc_deg_body,
        out_type=jax.ShapeDtypeStruct((NW, NP), jnp.float32),
        mesh=mesh,
        compiler_params=pltpu.CompilerParams(needs_layout_passes=False),
        scratch_types=[
            pltpu.VMEM((DCH,), jnp.int32),
            pltpu.VMEM((NP,), jnp.float32),
        ],
    )(edge_index)


def _tc_scale_body(x_ref, w_ref, parts_ref, y_ref, dinv_ref):
    deg = jnp.sum(parts_ref[...], axis=0) + 1.0
    dinv = lax.rsqrt(deg).reshape(BLK, 1)
    xw = jnp.dot(x_ref[...], w_ref[...], preferred_element_type=jnp.float32)
    y_ref[...] = xw * dinv
    dinv_ref[...] = dinv


def _tc_scale(x_p, W1, parts):
    return pl.pallas_call(
        _tc_scale_body,
        grid=(NBLK,),
        in_specs=[
            pl.BlockSpec((BLK, F), lambda i: (i, 0)),
            pl.BlockSpec((F, HID), lambda i: (0, 0)),
            pl.BlockSpec((NW, BLK), lambda i: (0, i)),
        ],
        out_specs=[
            pl.BlockSpec((BLK, HID), lambda i: (i, 0)),
            pl.BlockSpec((BLK, 1), lambda i: (i, 0)),
        ],
        out_shape=[
            jax.ShapeDtypeStruct((NP, HID), jnp.float32),
            jax.ShapeDtypeStruct((NP, 1), jnp.float32),
        ],
    )(x_p, W1, parts)


def _sc_scatter_body(y_hbm, row_hbm, col_hbm, z_hbm, out_hbm,
                     row_v, col_v, buf0, buf1, buf2, buf3,
                     gsem0, gsem1, gsem2, gsem3,
                     ssem0, ssem1, ssem2, ssem3, acc):
    c = lax.axis_index("c")
    s = lax.axis_index("s")
    base = (c * NS + s) * CPT
    bufs = (buf0, buf1, buf2, buf3)
    gsems = (gsem0, gsem1, gsem2, gsem3)
    ssems = (ssem0, ssem1, ssem2, ssem3)
    pltpu.sync_copy(z_hbm, acc.at[pl.ds(s * RPT, RPT)])
    plsc.subcore_barrier()

    groups = SLAB // NBUF

    def body(j, _):
        for b in range(NBUF):
            jb = NBUF * j + b
            pltpu.make_async_copy(y_hbm.at[row_v.at[jb]], bufs[b],
                                  gsems[b]).wait()
            pltpu.async_copy(bufs[b], acc.at[col_v.at[jb]], ssems[b],
                             add=True)

        @pl.when(j < groups - 1)
        def _():
            for b in range(NBUF):
                jb = NBUF * j + b
                pltpu.make_async_copy(bufs[b], acc.at[col_v.at[jb]],
                                      ssems[b]).wait()
                pltpu.async_copy(y_hbm.at[row_v.at[jb + NBUF]], bufs[b],
                                 gsems[b])

        return 0

    def slab_body(t, _):
        off = base + t * SLAB
        pltpu.sync_copy(row_hbm.at[pl.ds(off, SLAB)], row_v)
        pltpu.sync_copy(col_hbm.at[pl.ds(off, SLAB)], col_v)
        for b in range(NBUF):
            pltpu.async_copy(y_hbm.at[row_v.at[b]], bufs[b], gsems[b])
        lax.fori_loop(0, groups, body, 0)
        for b in range(NBUF):
            pltpu.make_async_copy(bufs[b], acc.at[col_v.at[b]],
                                  ssems[b]).wait()
        return 0

    lax.fori_loop(0, CPT // SLAB, slab_body, 0)
    plsc.subcore_barrier()
    pltpu.sync_copy(acc.at[pl.ds(s * RPT, RPT)],
                    out_hbm.at[c, pl.ds(s * RPT, RPT)])


def _sc_scatter(y, row_p, col_p, zeros_rpt):
    mesh = plsc.VectorSubcoreMesh(core_axis_name="c", subcore_axis_name="s")
    return pl.kernel(
        _sc_scatter_body,
        out_type=jax.ShapeDtypeStruct((NC, NP, HID), jnp.float32),
        mesh=mesh,
        compiler_params=pltpu.CompilerParams(needs_layout_passes=False),
        scratch_types=[
            pltpu.VMEM((SLAB, CHUNK), jnp.int32),
            pltpu.VMEM((SLAB, CHUNK), jnp.int32),
            pltpu.VMEM((CHUNK, HID), jnp.float32),
            pltpu.VMEM((CHUNK, HID), jnp.float32),
            pltpu.VMEM((CHUNK, HID), jnp.float32),
            pltpu.VMEM((CHUNK, HID), jnp.float32),
            pltpu.SemaphoreType.DMA,
            pltpu.SemaphoreType.DMA,
            pltpu.SemaphoreType.DMA,
            pltpu.SemaphoreType.DMA,
            pltpu.SemaphoreType.DMA,
            pltpu.SemaphoreType.DMA,
            pltpu.SemaphoreType.DMA,
            pltpu.SemaphoreType.DMA,
            pltpu.VMEM_SHARED((NP, HID), jnp.float32),
        ],
    )(y, row_p, col_p, zeros_rpt)


def _tc_final_body(aggs_ref, y_ref, dinv_ref, b1_ref, batch_ref, w2_ref,
                   b2_ref, out_ref, sums_ref, counts_ref):
    i = pl.program_id(0)

    @pl.when(i == 0)
    def _():
        sums_ref[...] = jnp.zeros_like(sums_ref)
        counts_ref[...] = jnp.zeros_like(counts_ref)

    agg = aggs_ref[0] + aggs_ref[1]
    h = jax.nn.relu(dinv_ref[...] * (agg + y_ref[...]) + b1_ref[...])
    b = batch_ref[0, 0, :]
    gid = lax.broadcasted_iota(jnp.int32, (G, BLK), 0)
    oh = (b[None, :] == gid).astype(jnp.float32)
    sums_ref[...] += jnp.dot(oh, h, preferred_element_type=jnp.float32)
    counts_ref[...] += jnp.broadcast_to(
        jnp.sum(oh, axis=1, keepdims=True), (G, HID))

    @pl.when(i == NBLK - 1)
    def _():
        pooled = sums_ref[...] / jnp.maximum(counts_ref[...], 1.0)
        logits = (jnp.dot(pooled, w2_ref[...],
                          preferred_element_type=jnp.float32) + b2_ref[...])
        lane = lax.broadcasted_iota(jnp.int32, (G, HID), 1)
        valid = lane < OUT
        neg = jnp.full_like(logits, -jnp.inf)
        m = jnp.max(jnp.where(valid, logits, neg), axis=1, keepdims=True)
        e = jnp.where(valid, jnp.exp(logits - m), 0.0)
        lse = jnp.log(jnp.sum(e, axis=1, keepdims=True))
        out_ref[...] = logits - m - lse


def _tc_final(aggs, y, dinv, b1, batch_p, W2p, b2p):
    return pl.pallas_call(
        _tc_final_body,
        grid=(NBLK,),
        in_specs=[
            pl.BlockSpec((NC, BLK, HID), lambda i: (0, i, 0)),
            pl.BlockSpec((BLK, HID), lambda i: (i, 0)),
            pl.BlockSpec((BLK, 1), lambda i: (i, 0)),
            pl.BlockSpec((1, HID), lambda i: (0, 0)),
            pl.BlockSpec((1, 1, BLK), lambda i: (i, 0, 0)),
            pl.BlockSpec((HID, HID), lambda i: (0, 0)),
            pl.BlockSpec((1, HID), lambda i: (0, 0)),
        ],
        out_specs=pl.BlockSpec((G, HID), lambda i: (0, 0)),
        out_shape=jax.ShapeDtypeStruct((G, HID), jnp.float32),
        scratch_shapes=[
            pltpu.VMEM((G, HID), jnp.float32),
            pltpu.VMEM((G, HID), jnp.float32),
        ],
    )(aggs, y, dinv, b1, batch_p, W2p, b2p)


def kernel(x, edge_index, batch, W1, b1, W2, b2):
    pad = E_PAD - E
    idx = jnp.arange(pad, dtype=jnp.int32)
    row = jnp.concatenate([edge_index[0], idx % N])
    col = jnp.concatenate([edge_index[1], N + idx % (NP - N)])
    row_p = row.reshape(TOT_CHUNKS, CHUNK)
    col_p = col.reshape(TOT_CHUNKS, CHUNK)
    x_p = jnp.pad(x, ((0, NP - N), (0, 0)))
    batch_p = jnp.concatenate(
        [batch, jnp.full((NP - N,), G, jnp.int32)]).reshape(NBLK, 1, BLK)
    zeros_rpt = jnp.zeros((RPT, HID), jnp.float32)
    W2p = jnp.pad(W2, ((0, 0), (0, HID - OUT)))
    b2p = jnp.pad(b2, (0, HID - OUT)).reshape(1, HID)
    b1r = b1.reshape(1, HID)

    parts = _sc_degree(edge_index.reshape(-1))
    y, dinv = _tc_scale(x_p, W1, parts)
    aggs = _sc_scatter(y, row_p, col_p, zeros_rpt)
    outp = _tc_final(aggs, y, dinv, b1r, batch_p, W2p, b2p)
    return outp[:, :OUT]

# --- scband reference (transcript-rebuilt; emitter-appended) ---
"""Pipeline reference for scband-net-52596169507567 (READ-ONLY COPY).

The authoritative reference and input builder live on the scoring server;
editing this copy changes nothing except your own understanding.
"""

import jax, jax.numpy as jnp
import numpy as np

N = 10000
E = 320000
F_IN = 128
HID = 128
OUT = 3
NUM_GRAPHS = 64


def setup_inputs(seed: int = 0) -> dict:
    key = jax.random.key(seed)
    k1, k2, k3, k4, k5 = jax.random.split(key, 5)
    x = jax.random.normal(k1, (N, F_IN), dtype=jnp.float32)
    edge_index = jax.random.randint(k2, (2, E), 0, N, dtype=jnp.int32)
    batch = jnp.sort(jax.random.randint(k3, (N,), 0, NUM_GRAPHS, dtype=jnp.int32))
    W1 = jax.random.normal(k4, (F_IN, HID), dtype=jnp.float32) * (1.0 / np.sqrt(F_IN))
    b1 = jnp.zeros((HID,), dtype=jnp.float32)
    W2 = jax.random.normal(k5, (HID, OUT), dtype=jnp.float32) * (1.0 / np.sqrt(HID))
    b2 = jnp.zeros((OUT,), dtype=jnp.float32)
    return {"x": x, "edge_index": edge_index, "batch": batch,
            "W1": W1, "b1": b1, "W2": W2, "b2": b2}


def _gcn_conv(x, edge_index, W, b, num_nodes):
    # PyG GCNConv with add_self_loops=True, normalize=True.
    loop = jnp.arange(num_nodes, dtype=edge_index.dtype)
    row = jnp.concatenate([edge_index[0], loop])  # source
    col = jnp.concatenate([edge_index[1], loop])  # target
    xw = x @ W
    deg = jnp.zeros((num_nodes,), xw.dtype).at[col].add(1.0)
    deg_inv_sqrt = jnp.where(deg > 0, 1.0 / jnp.sqrt(deg), 0.0)
    norm = deg_inv_sqrt[row] * deg_inv_sqrt[col]
    msgs = xw[row] * norm[:, None]
    out = jnp.zeros((num_nodes, xw.shape[1]), xw.dtype).at[col].add(msgs)
    return out + b


def reference(x, edge_index, batch, W1, b1, W2, b2):
    h = jax.nn.relu(_gcn_conv(x, edge_index, W1, b1, x.shape[0]))
    sums = jax.ops.segment_sum(h, batch, num_segments=NUM_GRAPHS)
    counts = jax.ops.segment_sum(jnp.ones((h.shape[0],), h.dtype), batch,
                                 num_segments=NUM_GRAPHS)
    pooled = sums / jnp.maximum(counts, 1.0)[:, None]
    logits = pooled @ W2 + b2
    return jax.nn.log_softmax(logits, axis=-1)

if __name__ == "__main__":
    import jax
    _d = setup_inputs()
    print(jax.jit(kernel)(*tuple(_d.values())))

</pallas_src>

<mosaic_0001>
#map = affine_map<(d0, d1) -> (0, 0)>
#map1 = affine_map<(d0, d1) -> (0, 0, 0)>
module attributes {stable_mosaic.version = 14 : i64} {
  func.func @_sc_scatter_body(%arg0: i32, %arg1: i32, %arg2: memref<10240x128xf32, #tpu.memory_space<hbm>>, %arg3: memref<5120x64xi32, #tpu.memory_space<hbm>>, %arg4: memref<5120x64xi32, #tpu.memory_space<hbm>>, %arg5: memref<640x128xf32, #tpu.memory_space<hbm>>, %arg6: memref<2x10240x128xf32, #tpu.memory_space<hbm>>, %arg7: memref<16x64xi32, #tpu.memory_space<vmem>>, %arg8: memref<16x64xi32, #tpu.memory_space<vmem>>, %arg9: memref<64x128xf32, #tpu.memory_space<vmem>>, %arg10: memref<64x128xf32, #tpu.memory_space<vmem>>, %arg11: memref<64x128xf32, #tpu.memory_space<vmem>>, %arg12: memref<64x128xf32, #tpu.memory_space<vmem>>, %arg13: memref<!tpu.dma_semaphore, #tpu.memory_space<semaphore_mem>>, %arg14: memref<!tpu.dma_semaphore, #tpu.memory_space<semaphore_mem>>, %arg15: memref<!tpu.dma_semaphore, #tpu.memory_space<semaphore_mem>>, %arg16: memref<!tpu.dma_semaphore, #tpu.memory_space<semaphore_mem>>, %arg17: memref<!tpu.dma_semaphore, #tpu.memory_space<semaphore_mem>>, %arg18: memref<!tpu.dma_semaphore, #tpu.memory_space<semaphore_mem>>, %arg19: memref<!tpu.dma_semaphore, #tpu.memory_space<semaphore_mem>>, %arg20: memref<!tpu.dma_semaphore, #tpu.memory_space<semaphore_mem>>, %arg21: memref<10240x128xf32, #tpu.memory_space<vmem_shared>>) attributes {dimension_semantics = [#tpu.dimension_semantics<core_parallel>, #tpu.dimension_semantics<subcore_parallel>], iteration_bounds = array<i64: 2, 16>, scalar_prefetch = 0 : i64, scratch_operands = 15 : i64, tpu.core_type = #tpu.core_type<sc_vector_subcore>, window_params = [{transform_indices = #map}, {transform_indices = #map}, {transform_indices = #map}, {transform_indices = #map}, {transform_indices = #map1}]} {
    %mul3A = arith.constant 16 : i32
    %mul3A_0 = arith.muli %arg0, %mul3A : i32
    %add3A = arith.addi %mul3A_0, %arg1 : i32
    %mul3A_1 = arith.constant 160 : i32
    %mul3A_2 = arith.muli %add3A, %mul3A_1 : i32
    %mul3A_3 = arith.constant 640 : i32
    %mul3A_4 = arith.muli %arg1, %mul3A_3 : i32
    "tpu.region"() ({
      %run_scoped3A = tpu.sem_alloc : memref<!tpu.dma_semaphore, #tpu.memory_space<semaphore_mem>>
      %dma_start3A = arith.constant 0 : i32
      %dma_start3A_16 = tpu.memref_slice %arg21[%mul3A_4, %dma_start3A] : memref<10240x128xf32, #tpu.memory_space<vmem_shared>> -> memref<640x128xf32, #tpu.memory_space<vmem_shared>>
      tpu.enqueue_dma source(%arg5 : memref<640x128xf32, #tpu.memory_space<hbm>>) target(%dma_start3A_16 : memref<640x128xf32, #tpu.memory_space<vmem_shared>>) target_semaphore(%run_scoped3A : memref<!tpu.dma_semaphore, #tpu.memory_space<semaphore_mem>>)
      %dma_wait3A = arith.constant 0 : i32
      %dma_wait3A_17 = tpu.memref_slice %arg21[%mul3A_4, %dma_wait3A] : memref<10240x128xf32, #tpu.memory_space<vmem_shared>> -> memref<640x128xf32, #tpu.memory_space<vmem_shared>>
      tpu.wait_dma2 semaphore(%run_scoped3A : memref<!tpu.dma_semaphore, #tpu.memory_space<semaphore_mem>>) src(%arg5 : memref<640x128xf32, #tpu.memory_space<hbm>>) dst(%dma_wait3A_17 : memref<640x128xf32, #tpu.memory_space<vmem_shared>>)
      tpu.yield
    }) : () -> ()
    %barrier3A = arith.constant 0 : index
    tpu.barrier barrier_id(%barrier3A)
    %scan3A = arith.constant 0 : i32
    %scan3A_5 = arith.constant 0 : i32
    %scan3A_6 = arith.constant 10 : i32
    %scan3A_7 = arith.addi %scan3A_5, %scan3A_6 : i32
    %scan3A_8 = arith.constant 1 : i32
    %scan3A_9 = scf.for %scan3A_16 = %scan3A_5 to %scan3A_7 step %scan3A_8 iter_args(%scan3A_17 = %scan3A) -> (i32)  : i32 {
      %mul3A_18 = arith.constant 16 : i32
      %mul3A_19 = arith.muli %scan3A_16, %mul3A_18 : i32
      %add3A_20 = arith.addi %mul3A_2, %mul3A_19 : i32
      "tpu.region"() ({
        %run_scoped3A = tpu.sem_alloc : memref<!tpu.dma_semaphore, #tpu.memory_space<semaphore_mem>>
        %dma_start3A_83 = arith.constant 0 : i32
        %dma_start3A_84 = tpu.memref_slice %arg3[%add3A_20, %dma_start3A_83] : memref<5120x64xi32, #tpu.memory_space<hbm>> -> memref<16x64xi32, #tpu.memory_space<hbm>>
        %dma_start3A_85 = arith.constant 0 : i32
        %dma_start3A_86 = tpu.memref_slice %arg3[%add3A_20, %dma_start3A_85] : memref<5120x64xi32, #tpu.memory_space<hbm>> -> memref<16x64xi32, #tpu.memory_space<hbm>>
        tpu.enqueue_dma source(%dma_start3A_86 : memref<16x64xi32, #tpu.memory_space<hbm>>) target(%arg7 : memref<16x64xi32, #tpu.memory_space<vmem>>) target_semaphore(%run_scoped3A : memref<!tpu.dma_semaphore, #tpu.memory_space<semaphore_mem>>)
        %dma_wait3A_87 = arith.constant 0 : i32
        %dma_wait3A_88 = tpu.memref_slice %arg3[%add3A_20, %dma_wait3A_87] : memref<5120x64xi32, #tpu.memory_space<hbm>> -> memref<16x64xi32, #tpu.memory_space<hbm>>
        %dma_wait3A_89 = arith.constant 0 : i32
        %dma_wait3A_90 = tpu.memref_slice %arg3[%add3A_20, %dma_wait3A_89] : memref<5120x64xi32, #tpu.memory_space<hbm>> -> memref<16x64xi32, #tpu.memory_space<hbm>>
        tpu.wait_dma2 semaphore(%run_scoped3A : memref<!tpu.dma_semaphore, #tpu.memory_space<semaphore_mem>>) src(%dma_wait3A_90 : memref<16x64xi32, #tpu.memory_space<hbm>>) dst(%arg7 : memref<16x64xi32, #tpu.memory_space<vmem>>)
        tpu.yield
      }) : () -> ()
      "tpu.region"() ({
        %run_scoped3A = tpu.sem_alloc : memref<!tpu.dma_semaphore, #tpu.memory_space<semaphore_mem>>
        %dma_start3A_83 = arith.constant 0 : i32
        %dma_start3A_84 = tpu.memref_slice %arg4[%add3A_20, %dma_start3A_83] : memref<5120x64xi32, #tpu.memory_space<hbm>> -> memref<16x64xi32, #tpu.memory_space<hbm>>
        %dma_start3A_85 = arith.constant 0 : i32
        %dma_start3A_86 = tpu.memref_slice %arg4[%add3A_20, %dma_start3A_85] : memref<5120x64xi32, #tpu.memory_space<hbm>> -> memref<16x64xi32, #tpu.memory_space<hbm>>
        tpu.enqueue_dma source(%dma_start3A_86 : memref<16x64xi32, #tpu.memory_space<hbm>>) target(%arg8 : memref<16x64xi32, #tpu.memory_space<vmem>>) target_semaphore(%run_scoped3A : memref<!tpu.dma_semaphore, #tpu.memory_space<semaphore_mem>>)
        %dma_wait3A_87 = arith.constant 0 : i32
        %dma_wait3A_88 = tpu.memref_slice %arg4[%add3A_20, %dma_wait3A_87] : memref<5120x64xi32, #tpu.memory_space<hbm>> -> memref<16x64xi32, #tpu.memory_space<hbm>>
        %dma_wait3A_89 = arith.constant 0 : i32
        %dma_wait3A_90 = tpu.memref_slice %arg4[%add3A_20, %dma_wait3A_89] : memref<5120x64xi32, #tpu.memory_space<hbm>> -> memref<16x64xi32, #tpu.memory_space<hbm>>
        tpu.wait_dma2 semaphore(%run_scoped3A : memref<!tpu.dma_semaphore, #tpu.memory_space<semaphore_mem>>) src(%dma_wait3A_90 : memref<16x64xi32, #tpu.memory_space<hbm>>) dst(%arg8 : memref<16x64xi32, #tpu.memory_space<vmem>>)
        tpu.yield
      }) : () -> ()
      %dma_start3A = arith.constant 0 : i32
      %dma_start3A_21 = arith.constant 0 : i32
      %dma_start3A_22 = tpu.memref_slice %arg7[%dma_start3A, %dma_start3A_21] : memref<16x64xi32, #tpu.memory_space<vmem>> -> memref<1x64xi32, #tpu.memory_space<vmem>>
      %dma_start3A_23 = tpu.memref_squeeze %dma_start3A_22 : memref<1x64xi32, #tpu.memory_space<vmem>> -> memref<64xi32, #tpu.memory_space<vmem>>
      %dma_start3A_24 = arith.constant 0 : i32
      %dma_start3A_25 = arith.constant 0 : i32
      %dma_start3A_26 = tpu.memref_slice %arg2[%dma_start3A_24, %dma_start3A_25] : memref<10240x128xf32, #tpu.memory_space<hbm>> -> memref<10240x128xf32, #tpu.memory_space<hbm>>
      tpu.enqueue_indirect_dma source(%dma_start3A_26 : memref<10240x128xf32, #tpu.memory_space<hbm>>) target(%arg9 : memref<64x128xf32, #tpu.memory_space<vmem>>) offsets(%dma_start3A_23 : memref<64xi32, #tpu.memory_space<vmem>>) semaphore(%arg13 : memref<!tpu.dma_semaphore, #tpu.memory_space<semaphore_mem>>)
      %dma_start3A_27 = arith.constant 1 : i32
      %dma_start3A_28 = arith.constant 0 : i32
      %dma_start3A_29 = tpu.memref_slice %arg7[%dma_start3A_27, %dma_start3A_28] : memref<16x64xi32, #tpu.memory_space<vmem>> -> memref<1x64xi32, #tpu.memory_space<vmem>>
      %dma_start3A_30 = tpu.memref_squeeze %dma_start3A_29 : memref<1x64xi32, #tpu.memory_space<vmem>> -> memref<64xi32, #tpu.memory_space<vmem>>
      %dma_start3A_31 = arith.constant 0 : i32
      %dma_start3A_32 = arith.constant 0 : i32
      %dma_start3A_33 = tpu.memref_slice %arg2[%dma_start3A_31, %dma_start3A_32] : memref<10240x128xf32, #tpu.memory_space<hbm>> -> memref<10240x128xf32, #tpu.memory_space<hbm>>
      tpu.enqueue_indirect_dma source(%dma_start3A_33 : memref<10240x128xf32, #tpu.memory_space<hbm>>) target(%arg10 : memref<64x128xf32, #tpu.memory_space<vmem>>) offsets(%dma_start3A_30 : memref<64xi32, #tpu.memory_space<vmem>>) semaphore(%arg14 : memref<!tpu.dma_semaphore, #tpu.memory_space<semaphore_mem>>)
      %dma_start3A_34 = arith.constant 2 : i32
      %dma_start3A_35 = arith.constant 0 : i32
      %dma_start3A_36 = tpu.memref_slice %arg7[%dma_start3A_34, %dma_start3A_35] : memref<16x64xi32, #tpu.memory_space<vmem>> -> memref<1x64xi32, #tpu.memory_space<vmem>>
      %dma_start3A_37 = tpu.memref_squeeze %dma_start3A_36 : memref<1x64xi32, #tpu.memory_space<vmem>> -> memref<64xi32, #tpu.memory_space<vmem>>
      %dma_start3A_38 = arith.constant 0 : i32
      %dma_start3A_39 = arith.constant 0 : i32
      %dma_start3A_40 = tpu.memref_slice %arg2[%dma_start3A_38, %dma_start3A_39] : memref<10240x128xf32, #tpu.memory_space<hbm>> -> memref<10240x128xf32, #tpu.memory_space<hbm>>
      tpu.enqueue_indirect_dma source(%dma_start3A_40 : memref<10240x128xf32, #tpu.memory_space<hbm>>) target(%arg11 : memref<64x128xf32, #tpu.memory_space<vmem>>) offsets(%dma_start3A_37 : memref<64xi32, #tpu.memory_space<vmem>>) semaphore(%arg15 : memref<!tpu.dma_semaphore, #tpu.memory_space<semaphore_mem>>)
      %dma_start3A_41 = arith.constant 3 : i32
      %dma_start3A_42 = arith.constant 0 : i32
      %dma_start3A_43 = tpu.memref_slice %arg7[%dma_start3A_41, %dma_start3A_42] : memref<16x64xi32, #tpu.memory_space<vmem>> -> memref<1x64xi32, #tpu.memory_space<vmem>>
      %dma_start3A_44 = tpu.memref_squeeze %dma_start3A_43 : memref<1x64xi32, #tpu.memory_space<vmem>> -> memref<64xi32, #tpu.memory_space<vmem>>
      %dma_start3A_45 = arith.constant 0 : i32
      %dma_start3A_46 = arith.constant 0 : i32
      %dma_start3A_47 = tpu.memref_slice %arg2[%dma_start3A_45, %dma_start3A_46] : memref<10240x128xf32, #tpu.memory_space<hbm>> -> memref<10240x128xf32, #tpu.memory_space<hbm>>
      tpu.enqueue_indirect_dma source(%dma_start3A_47 : memref<10240x128xf32, #tpu.memory_space<hbm>>) target(%arg12 : memref<64x128xf32, #tpu.memory_space<vmem>>) offsets(%dma_start3A_44 : memref<64xi32, #tpu.memory_space<vmem>>) semaphore(%arg16 : memref<!tpu.dma_semaphore, #tpu.memory_space<semaphore_mem>>)
      %scan3A_48 = arith.constant 0 : i32
      %scan3A_49 = arith.constant 0 : i32
      %scan3A_50 = arith.constant 4 : i32
      %scan3A_51 = arith.addi %scan3A_49, %scan3A_50 : i32
      %scan3A_52 = arith.constant 1 : i32
      %scan3A_53 = scf.for %scan3A_83 = %scan3A_49 to %scan3A_51 step %scan3A_52 iter_args(%scan3A_84 = %scan3A_48) -> (i32)  : i32 {
        %mul3A_85 = arith.constant 4 : i32
        %mul3A_86 = arith.muli %mul3A_85, %scan3A_83 : i32
        %add3A_87 = arith.constant 0 : i32
        %add3A_88 = arith.addi %mul3A_86, %add3A_87 : i32
        %dma_wait3A_89 = arith.constant 0 : i32
        %dma_wait3A_90 = tpu.memref_slice %arg7[%add3A_88, %dma_wait3A_89] : memref<16x64xi32, #tpu.memory_space<vmem>> -> memref<1x64xi32, #tpu.memory_space<vmem>>
        %dma_wait3A_91 = tpu.memref_squeeze %dma_wait3A_90 : memref<1x64xi32, #tpu.memory_space<vmem>> -> memref<64xi32, #tpu.memory_space<vmem>>
        %dma_wait3A_92 = arith.constant 0 : i32
        %dma_wait3A_93 = arith.constant 0 : i32
        %dma_wait3A_94 = tpu.memref_slice %arg2[%dma_wait3A_92, %dma_wait3A_93] : memref<10240x128xf32, #tpu.memory_space<hbm>> -> memref<10240x128xf32, #tpu.memory_space<hbm>>
        tpu.wait_indirect_dma semaphore(%arg13 : memref<!tpu.dma_semaphore, #tpu.memory_space<semaphore_mem>>) src(%dma_wait3A_94 : memref<10240x128xf32, #tpu.memory_space<hbm>>) dst(%arg9 : memref<64x128xf32, #tpu.memory_space<vmem>>)
        %dma_start3A_95 = arith.constant 0 : i32
        %dma_start3A_96 = tpu.memref_slice %arg8[%add3A_88, %dma_start3A_95] : memref<16x64xi32, #tpu.memory_space<vmem>> -> memref<1x64xi32, #tpu.memory_space<vmem>>
        %dma_start3A_97 = tpu.memref_squeeze %dma_start3A_96 : memref<1x64xi32, #tpu.memory_space<vmem>> -> memref<64xi32, #tpu.memory_space<vmem>>
        %dma_start3A_98 = arith.constant 0 : i32
        %dma_start3A_99 = arith.constant 0 : i32
        %dma_start3A_100 = tpu.memref_slice %arg21[%dma_start3A_98, %dma_start3A_99] : memref<10240x128xf32, #tpu.memory_space<vmem_shared>> -> memref<10240x128xf32, #tpu.memory_space<vmem_shared>>
        tpu.enqueue_indirect_dma source(%arg9 : memref<64x128xf32, #tpu.memory_space<vmem>>) target(%dma_start3A_100 : memref<10240x128xf32, #tpu.memory_space<vmem_shared>>) offsets(%dma_start3A_97 : memref<64xi32, #tpu.memory_space<vmem>>) semaphore(%arg17 : memref<!tpu.dma_semaphore, #tpu.memory_space<semaphore_mem>>) {add = true}
        %mul3A_101 = arith.constant 4 : i32
        %mul3A_102 = arith.muli %mul3A_101, %scan3A_83 : i32
        %add3A_103 = arith.constant 1 : i32
        %add3A_104 = arith.addi %mul3A_102, %add3A_103 : i32
        %dma_wait3A_105 = arith.constant 0 : i32
        %dma_wait3A_106 = tpu.memref_slice %arg7[%add3A_104, %dma_wait3A_105] : memref<16x64xi32, #tpu.memory_space<vmem>> -> memref<1x64xi32, #tpu.memory_space<vmem>>
        %dma_wait3A_107 = tpu.memref_squeeze %dma_wait3A_106 : memref<1x64xi32, #tpu.memory_space<vmem>> -> memref<64xi32, #tpu.memory_space<vmem>>
        %dma_wait3A_108 = arith.constant 0 : i32
        %dma_wait3A_109 = arith.constant 0 : i32
        %dma_wait3A_110 = tpu.memref_slice %arg2[%dma_wait3A_108, %dma_wait3A_109] : memref<10240x128xf32, #tpu.memory_space<hbm>> -> memref<10240x128xf32, #tpu.memory_space<hbm>>
        tpu.wait_indirect_dma semaphore(%arg14 : memref<!tpu.dma_semaphore, #tpu.memory_space<semaphore_mem>>) src(%dma_wait3A_110 : memref<10240x128xf32, #tpu.memory_space<hbm>>) dst(%arg10 : memref<64x128xf32, #tpu.memory_space<vmem>>)
        %dma_start3A_111 = arith.constant 0 : i32
        %dma_start3A_112 = tpu.memref_slice %arg8[%add3A_104, %dma_start3A_111] : memref<16x64xi32, #tpu.memory_space<vmem>> -> memref<1x64xi32, #tpu.memory_space<vmem>>
        %dma_start3A_113 = tpu.memref_squeeze %dma_start3A_112 : memref<1x64xi32, #tpu.memory_space<vmem>> -> memref<64xi32, #tpu.memory_space<vmem>>
        %dma_start3A_114 = arith.constant 0 : i32
        %dma_start3A_115 = arith.constant 0 : i32
        %dma_start3A_116 = tpu.memref_slice %arg21[%dma_start3A_114, %dma_start3A_115] : memref<10240x128xf32, #tpu.memory_space<vmem_shared>> -> memref<10240x128xf32, #tpu.memory_space<vmem_shared>>
        tpu.enqueue_indirect_dma source(%arg10 : memref<64x128xf32, #tpu.memory_space<vmem>>) target(%dma_start3A_116 : memref<10240x128xf32, #tpu.memory_space<vmem_shared>>) offsets(%dma_start3A_113 : memref<64xi32, #tpu.memory_space<vmem>>) semaphore(%arg18 : memref<!tpu.dma_semaphore, #tpu.memory_space<semaphore_mem>>) {add = true}
        %mul3A_117 = arith.constant 4 : i32
        %mul3A_118 = arith.muli %mul3A_117, %scan3A_83 : i32
        %add3A_119 = arith.constant 2 : i32
        %add3A_120 = arith.addi %mul3A_118, %add3A_119 : i32
        %dma_wait3A_121 = arith.constant 0 : i32
        %dma_wait3A_122 = tpu.memref_slice %arg7[%add3A_120, %dma_wait3A_121] : memref<16x64xi32, #tpu.memory_space<vmem>> -> memref<1x64xi32, #tpu.memory_space<vmem>>
        %dma_wait3A_123 = tpu.memref_squeeze %dma_wait3A_122 : memref<1x64xi32, #tpu.memory_space<vmem>> -> memref<64xi32, #tpu.memory_space<vmem>>
        %dma_wait3A_124 = arith.constant 0 : i32
        %dma_wait3A_125 = arith.constant 0 : i32
        %dma_wait3A_126 = tpu.memref_slice %arg2[%dma_wait3A_124, %dma_wait3A_125] : memref<10240x128xf32, #tpu.memory_space<hbm>> -> memref<10240x128xf32, #tpu.memory_space<hbm>>
        tpu.wait_indirect_dma semaphore(%arg15 : memref<!tpu.dma_semaphore, #tpu.memory_space<semaphore_mem>>) src(%dma_wait3A_126 : memref<10240x128xf32, #tpu.memory_space<hbm>>) dst(%arg11 : memref<64x128xf32, #tpu.memory_space<vmem>>)
        %dma_start3A_127 = arith.constant 0 : i32
        %dma_start3A_128 = tpu.memref_slice %arg8[%add3A_120, %dma_start3A_127] : memref<16x64xi32, #tpu.memory_space<vmem>> -> memref<1x64xi32, #tpu.memory_space<vmem>>
        %dma_start3A_129 = tpu.memref_squeeze %dma_start3A_128 : memref<1x64xi32, #tpu.memory_space<vmem>> -> memref<64xi32, #tpu.memory_space<vmem>>
        %dma_start3A_130 = arith.constant 0 : i32
        %dma_start3A_131 = arith.constant 0 : i32
        %dma_start3A_132 = tpu.memref_slice %arg21[%dma_start3A_130, %dma_start3A_131] : memref<10240x128xf32, #tpu.memory_space<vmem_shared>> -> memref<10240x128xf32, #tpu.memory_space<vmem_shared>>
        tpu.enqueue_indirect_dma source(%arg11 : memref<64x128xf32, #tpu.memory_space<vmem>>) target(%dma_start3A_132 : memref<10240x128xf32, #tpu.memory_space<vmem_shared>>) offsets(%dma_start3A_129 : memref<64xi32, #tpu.memory_space<vmem>>) semaphore(%arg19 : memref<!tpu.dma_semaphore, #tpu.memory_space<semaphore_mem>>) {add = true}
        %mul3A_133 = arith.constant 4 : i32
        %mul3A_134 = arith.muli %mul3A_133, %scan3A_83 : i32
        %add3A_135 = arith.constant 3 : i32
        %add3A_136 = arith.addi %mul3A_134, %add3A_135 : i32
        %dma_wait3A_137 = arith.constant 0 : i32
        %dma_wait3A_138 = tpu.memref_slice %arg7[%add3A_136, %dma_wait3A_137] : memref<16x64xi32, #tpu.memory_space<vmem>> -> memref<1x64xi32, #tpu.memory_space<vmem>>
        %dma_wait3A_139 = tpu.memref_squeeze %dma_wait3A_138 : memref<1x64xi32, #tpu.memory_space<vmem>> -> memref<64xi32, #tpu.memory_space<vmem>>
        %dma_wait3A_140 = arith.constant 0 : i32
        %dma_wait3A_141 = arith.constant 0 : i32
        %dma_wait3A_142 = tpu.memref_slice %arg2[%dma_wait3A_140, %dma_wait3A_141] : memref<10240x128xf32, #tpu.memory_space<hbm>> -> memref<10240x128xf32, #tpu.memory_space<hbm>>
        tpu.wait_indirect_dma semaphore(%arg16 : memref<!tpu.dma_semaphore, #tpu.memory_space<semaphore_mem>>) src(%dma_wait3A_142 : memref<10240x128xf32, #tpu.memory_space<hbm>>) dst(%arg12 : memref<64x128xf32, #tpu.memory_space<vmem>>)
        %dma_start3A_143 = arith.constant 0 : i32
        %dma_start3A_144 = tpu.memref_slice %arg8[%add3A_136, %dma_start3A_143] : memref<16x64xi32, #tpu.memory_space<vmem>> -> memref<1x64xi32, #tpu.memory_space<vmem>>
        %dma_start3A_145 = tpu.memref_squeeze %dma_start3A_144 : memref<1x64xi32, #tpu.memory_space<vmem>> -> memref<64xi32, #tpu.memory_space<vmem>>
        %dma_start3A_146 = arith.constant 0 : i32
        %dma_start3A_147 = arith.constant 0 : i32
        %dma_start3A_148 = tpu.memref_slice %arg21[%dma_start3A_146, %dma_start3A_147] : memref<10240x128xf32, #tpu.memory_space<vmem_shared>> -> memref<10240x128xf32, #tpu.memory_space<vmem_shared>>
        tpu.enqueue_indirect_dma source(%arg12 : memref<64x128xf32, #tpu.memory_space<vmem>>) target(%dma_start3A_148 : memref<10240x128xf32, #tpu.memory_space<vmem_shared>>) offsets(%dma_start3A_145 : memref<64xi32, #tpu.memory_space<vmem>>) semaphore(%arg20 : memref<!tpu.dma_semaphore, #tpu.memory_space<semaphore_mem>>) {add = true}
        %lt3A = arith.constant 3 : i32
        %lt3A_149 = arith.cmpi slt, %scan3A_83, %lt3A : i32
        %convert_element_type3A = arith.extui %lt3A_149 : i1 to i32
        %cond3A = arith.constant 0 : i32
        %cond3A_150 = arith.cmpi ne, %convert_element_type3A, %cond3A : i32
        scf.if %cond3A_150 {
          %mul3A_152 = arith.constant 4 : i32
          %mul3A_153 = arith.muli %mul3A_152, %scan3A_83 : i32
          %add3A_154 = arith.constant 0 : i32
          %add3A_155 = arith.addi %mul3A_153, %add3A_154 : i32
          %dma_wait3A_156 = arith.constant 0 : i32
          %dma_wait3A_157 = tpu.memref_slice %arg8[%add3A_155, %dma_wait3A_156] : memref<16x64xi32, #tpu.memory_space<vmem>> -> memref<1x64xi32, #tpu.memory_space<vmem>>
          %dma_wait3A_158 = tpu.memref_squeeze %dma_wait3A_157 : memref<1x64xi32, #tpu.memory_space<vmem>> -> memref<64xi32, #tpu.memory_space<vmem>>
          %dma_wait3A_159 = arith.constant 0 : i32
          %dma_wait3A_160 = arith.constant 0 : i32
          %dma_wait3A_161 = tpu.memref_slice %arg21[%dma_wait3A_159, %dma_wait3A_160] : memref<10240x128xf32, #tpu.memory_space<vmem_shared>> -> memref<10240x128xf32, #tpu.memory_space<vmem_shared>>
          tpu.wait_indirect_dma semaphore(%arg17 : memref<!tpu.dma_semaphore, #tpu.memory_space<semaphore_mem>>) src(%arg9 : memref<64x128xf32, #tpu.memory_space<vmem>>) dst(%dma_wait3A_161 : memref<10240x128xf32, #tpu.memory_space<vmem_shared>>)
          %add3A_162 = arith.constant 4 : i32
          %add3A_163 = arith.addi %add3A_155, %add3A_162 : i32
          %dma_start3A_164 = arith.constant 0 : i32
          %dma_start3A_165 = tpu.memref_slice %arg7[%add3A_163, %dma_start3A_164] : memref<16x64xi32, #tpu.memory_space<vmem>> -> memref<1x64xi32, #tpu.memory_space<vmem>>
          %dma_start3A_166 = tpu.memref_squeeze %dma_start3A_165 : memref<1x64xi32, #tpu.memory_space<vmem>> -> memref<64xi32, #tpu.memory_space<vmem>>
          %dma_start3A_167 = arith.constant 0 : i32
          %dma_start3A_168 = arith.constant 0 : i32
          %dma_start3A_169 = tpu.memref_slice %arg2[%dma_start3A_167, %dma_start3A_168] : memref<10240x128xf32, #tpu.memory_space<hbm>> -> memref<10240x128xf32, #tpu.memory_space<hbm>>
          tpu.enqueue_indirect_dma source(%dma_start3A_169 : memref<10240x128xf32, #tpu.memory_space<hbm>>) target(%arg9 : memref<64x128xf32, #tpu.memory_space<vmem>>) offsets(%dma_start3A_166 : memref<64xi32, #tpu.memory_space<vmem>>) semaphore(%arg13 : memref<!tpu.dma_semaphore, #tpu.memory_space<semaphore_mem>>)
          %mul3A_170 = arith.constant 4 : i32
          %mul3A_171 = arith.muli %mul3A_170, %scan3A_83 : i32
          %add3A_172 = arith.constant 1 : i32
          %add3A_173 = arith.addi %mul3A_171, %add3A_172 : i32
          %dma_wait3A_174 = arith.constant 0 : i32
          %dma_wait3A_175 = tpu.memref_slice %arg8[%add3A_173, %dma_wait3A_174] : memref<16x64xi32, #tpu.memory_space<vmem>> -> memref<1x64xi32, #tpu.memory_space<vmem>>
          %dma_wait3A_176 = tpu.memref_squeeze %dma_wait3A_175 : memref<1x64xi32, #tpu.memory_space<vmem>> -> memref<64xi32, #tpu.memory_space<vmem>>
          %dma_wait3A_177 = arith.constant 0 : i32
          %dma_wait3A_178 = arith.constant 0 : i32
          %dma_wait3A_179 = tpu.memref_slice %arg21[%dma_wait3A_177, %dma_wait3A_178] : memref<10240x128xf32, #tpu.memory_space<vmem_shared>> -> memref<10240x128xf32, #tpu.memory_space<vmem_shared>>
          tpu.wait_indirect_dma semaphore(%arg18 : memref<!tpu.dma_semaphore, #tpu.memory_space<semaphore_mem>>) src(%arg10 : memref<64x128xf32, #tpu.memory_space<vmem>>) dst(%dma_wait3A_179 : memref<10240x128xf32, #tpu.memory_space<vmem_shared>>)
          %add3A_180 = arith.constant 4 : i32
          %add3A_181 = arith.addi %add3A_173, %add3A_180 : i32
          %dma_start3A_182 = arith.constant 0 : i32
          %dma_start3A_183 = tpu.memref_slice %arg7[%add3A_181, %dma_start3A_182] : memref<16x64xi32, #tpu.memory_space<vmem>> -> memref<1x64xi32, #tpu.memory_space<vmem>>
          %dma_start3A_184 = tpu.memref_squeeze %dma_start3A_183 : memref<1x64xi32, #tpu.memory_space<vmem>> -> memref<64xi32, #tpu.memory_space<vmem>>
          %dma_start3A_185 = arith.constant 0 : i32
          %dma_start3A_186 = arith.constant 0 : i32
          %dma_start3A_187 = tpu.memref_slice %arg2[%dma_start3A_185, %dma_start3A_186] : memref<10240x128xf32, #tpu.memory_space<hbm>> -> memref<10240x128xf32, #tpu.memory_space<hbm>>
          tpu.enqueue_indirect_dma source(%dma_start3A_187 : memref<10240x128xf32, #tpu.memory_space<hbm>>) target(%arg10 : memref<64x128xf32, #tpu.memory_space<vmem>>) offsets(%dma_start3A_184 : memref<64xi32, #tpu.memory_space<vmem>>) semaphore(%arg14 : memref<!tpu.dma_semaphore, #tpu.memory_space<semaphore_mem>>)
          %mul3A_188 = arith.constant 4 : i32
          %mul3A_189 = arith.muli %mul3A_188, %scan3A_83 : i32
          %add3A_190 = arith.constant 2 : i32
          %add3A_191 = arith.addi %mul3A_189, %add3A_190 : i32
          %dma_wait3A_192 = arith.constant 0 : i32
          %dma_wait3A_193 = tpu.memref_slice %arg8[%add3A_191, %dma_wait3A_192] : memref<16x64xi32, #tpu.memory_space<vmem>> -> memref<1x64xi32, #tpu.memory_space<vmem>>
          %dma_wait3A_194 = tpu.memref_squeeze %dma_wait3A_193 : memref<1x64xi32, #tpu.memory_space<vmem>> -> memref<64xi32, #tpu.memory_space<vmem>>
          %dma_wait3A_195 = arith.constant 0 : i32
          %dma_wait3A_196 = arith.constant 0 : i32
          %dma_wait3A_197 = tpu.memref_slice %arg21[%dma_wait3A_195, %dma_wait3A_196] : memref<10240x128xf32, #tpu.memory_space<vmem_shared>> -> memref<10240x128xf32, #tpu.memory_space<vmem_shared>>
          tpu.wait_indirect_dma semaphore(%arg19 : memref<!tpu.dma_semaphore, #tpu.memory_space<semaphore_mem>>) src(%arg11 : memref<64x128xf32, #tpu.memory_space<vmem>>) dst(%dma_wait3A_197 : memref<10240x128xf32, #tpu.memory_space<vmem_shared>>)
          %add3A_198 = arith.constant 4 : i32
          %add3A_199 = arith.addi %add3A_191, %add3A_198 : i32
          %dma_start3A_200 = arith.constant 0 : i32
          %dma_start3A_201 = tpu.memref_slice %arg7[%add3A_199, %dma_start3A_200] : memref<16x64xi32, #tpu.memory_space<vmem>> -> memref<1x64xi32, #tpu.memory_space<vmem>>
          %dma_start3A_202 = tpu.memref_squeeze %dma_start3A_201 : memref<1x64xi32, #tpu.memory_space<vmem>> -> memref<64xi32, #tpu.memory_space<vmem>>
          %dma_start3A_203 = arith.constant 0 : i32
          %dma_start3A_204 = arith.constant 0 : i32
          %dma_start3A_205 = tpu.memref_slice %arg2[%dma_start3A_203, %dma_start3A_204] : memref<10240x128xf32, #tpu.memory_space<hbm>> -> memref<10240x128xf32, #tpu.memory_space<hbm>>
          tpu.enqueue_indirect_dma source(%dma_start3A_205 : memref<10240x128xf32, #tpu.memory_space<hbm>>) target(%arg11 : memref<64x128xf32, #tpu.memory_space<vmem>>) offsets(%dma_start3A_202 : memref<64xi32, #tpu.memory_space<vmem>>) semaphore(%arg15 : memref<!tpu.dma_semaphore, #tpu.memory_space<semaphore_mem>>)
          %mul3A_206 = arith.constant 4 : i32
          %mul3A_207 = arith.muli %mul3A_206, %scan3A_83 : i32
          %add3A_208 = arith.constant 3 : i32
          %add3A_209 = arith.addi %mul3A_207, %add3A_208 : i32
          %dma_wait3A_210 = arith.constant 0 : i32
          %dma_wait3A_211 = tpu.memref_slice %arg8[%add3A_209, %dma_wait3A_210] : memref<16x64xi32, #tpu.memory_space<vmem>> -> memref<1x64xi32, #tpu.memory_space<vmem>>
          %dma_wait3A_212 = tpu.memref_squeeze %dma_wait3A_211 : memref<1x64xi32, #tpu.memory_space<vmem>> -> memref<64xi32, #tpu.memory_space<vmem>>
          %dma_wait3A_213 = arith.constant 0 : i32
          %dma_wait3A_214 = arith.constant 0 : i32
          %dma_wait3A_215 = tpu.memref_slice %arg21[%dma_wait3A_213, %dma_wait3A_214] : memref<10240x128xf32, #tpu.memory_space<vmem_shared>> -> memref<10240x128xf32, #tpu.memory_space<vmem_shared>>
          tpu.wait_indirect_dma semaphore(%arg20 : memref<!tpu.dma_semaphore, #tpu.memory_space<semaphore_mem>>) src(%arg12 : memref<64x128xf32, #tpu.memory_space<vmem>>) dst(%dma_wait3A_215 : memref<10240x128xf32, #tpu.memory_space<vmem_shared>>)
          %add3A_216 = arith.constant 4 : i32
          %add3A_217 = arith.addi %add3A_209, %add3A_216 : i32
          %dma_start3A_218 = arith.constant 0 : i32
          %dma_start3A_219 = tpu.memref_slice %arg7[%add3A_217, %dma_start3A_218] : memref<16x64xi32, #tpu.memory_space<vmem>> -> memref<1x64xi32, #tpu.memory_space<vmem>>
          %dma_start3A_220 = tpu.memref_squeeze %dma_start3A_219 : memref<1x64xi32, #tpu.memory_space<vmem>> -> memref<64xi32, #tpu.memory_space<vmem>>
          %dma_start3A_221 = arith.constant 0 : i32
          %dma_start3A_222 = arith.constant 0 : i32
          %dma_start3A_223 = tpu.memref_slice %arg2[%dma_start3A_221, %dma_start3A_222] : memref<10240x128xf32, #tpu.memory_space<hbm>> -> memref<10240x128xf32, #tpu.memory_space<hbm>>
          tpu.enqueue_indirect_dma source(%dma_start3A_223 : memref<10240x128xf32, #tpu.memory_space<hbm>>) target(%arg12 : memref<64x128xf32, #tpu.memory_space<vmem>>) offsets(%dma_start3A_220 : memref<64xi32, #tpu.memory_space<vmem>>) semaphore(%arg16 : memref<!tpu.dma_semaphore, #tpu.memory_space<semaphore_mem>>)
        } else {
        }
        %scan3A_151 = arith.constant 0 : i32
        scf.yield %scan3A_151 : i32
      }
      %scan3A_54 = arith.constant 4 : i32
      %dma_wait3A = arith.constant 0 : i32
      %dma_wait3A_55 = arith.constant 0 : i32
      %dma_wait3A_56 = tpu.memref_slice %arg8[%dma_wait3A, %dma_wait3A_55] : memref<16x64xi32, #tpu.memory_space<vmem>> -> memref<1x64xi32, #tpu.memory_space<vmem>>
      %dma_wait3A_57 = tpu.memref_squeeze %dma_wait3A_56 : memref<1x64xi32, #tpu.memory_space<vmem>> -> memref<64xi32, #tpu.memory_space<vmem>>
      %dma_wait3A_58 = arith.constant 0 : i32
      %dma_wait3A_59 = arith.constant 0 : i32
      %dma_wait3A_60 = tpu.memref_slice %arg21[%dma_wait3A_58, %dma_wait3A_59] : memref<10240x128xf32, #tpu.memory_space<vmem_shared>> -> memref<10240x128xf32, #tpu.memory_space<vmem_shared>>
      tpu.wait_indirect_dma semaphore(%arg17 : memref<!tpu.dma_semaphore, #tpu.memory_space<semaphore_mem>>) src(%arg9 : memref<64x128xf32, #tpu.memory_space<vmem>>) dst(%dma_wait3A_60 : memref<10240x128xf32, #tpu.memory_space<vmem_shared>>)
      %dma_wait3A_61 = arith.constant 1 : i32
      %dma_wait3A_62 = arith.constant 0 : i32
      %dma_wait3A_63 = tpu.memref_slice %arg8[%dma_wait3A_61, %dma_wait3A_62] : memref<16x64xi32, #tpu.memory_space<vmem>> -> memref<1x64xi32, #tpu.memory_space<vmem>>
      %dma_wait3A_64 = tpu.memref_squeeze %dma_wait3A_63 : memref<1x64xi32, #tpu.memory_space<vmem>> -> memref<64xi32, #tpu.memory_space<vmem>>
      %dma_wait3A_65 = arith.constant 0 : i32
      %dma_wait3A_66 = arith.constant 0 : i32
      %dma_wait3A_67 = tpu.memref_slice %arg21[%dma_wait3A_65, %dma_wait3A_66] : memref<10240x128xf32, #tpu.memory_space<vmem_shared>> -> memref<10240x128xf32, #tpu.memory_space<vmem_shared>>
      tpu.wait_indirect_dma semaphore(%arg18 : memref<!tpu.dma_semaphore, #tpu.memory_space<semaphore_mem>>) src(%arg10 : memref<64x128xf32, #tpu.memory_space<vmem>>) dst(%dma_wait3A_67 : memref<10240x128xf32, #tpu.memory_space<vmem_shared>>)
      %dma_wait3A_68 = arith.constant 2 : i32
      %dma_wait3A_69 = arith.constant 0 : i32
      %dma_wait3A_70 = tpu.memref_slice %arg8[%dma_wait3A_68, %dma_wait3A_69] : memref<16x64xi32, #tpu.memory_space<vmem>> -> memref<1x64xi32, #tpu.memory_space<vmem>>
      %dma_wait3A_71 = tpu.memref_squeeze %dma_wait3A_70 : memref<1x64xi32, #tpu.memory_space<vmem>> -> memref<64xi32, #tpu.memory_space<vmem>>
      %dma_wait3A_72 = arith.constant 0 : i32
      %dma_wait3A_73 = arith.constant 0 : i32
      %dma_wait3A_74 = tpu.memref_slice %arg21[%dma_wait3A_72, %dma_wait3A_73] : memref<10240x128xf32, #tpu.memory_space<vmem_shared>> -> memref<10240x128xf32, #tpu.memory_space<vmem_shared>>
      tpu.wait_indirect_dma semaphore(%arg19 : memref<!tpu.dma_semaphore, #tpu.memory_space<semaphore_mem>>) src(%arg11 : memref<64x128xf32, #tpu.memory_space<vmem>>) dst(%dma_wait3A_74 : memref<10240x128xf32, #tpu.memory_space<vmem_shared>>)
      %dma_wait3A_75 = arith.constant 3 : i32
      %dma_wait3A_76 = arith.constant 0 : i32
      %dma_wait3A_77 = tpu.memref_slice %arg8[%dma_wait3A_75, %dma_wait3A_76] : memref<16x64xi32, #tpu.memory_space<vmem>> -> memref<1x64xi32, #tpu.memory_space<vmem>>
      %dma_wait3A_78 = tpu.memref_squeeze %dma_wait3A_77 : memref<1x64xi32, #tpu.memory_space<vmem>> -> memref<64xi32, #tpu.memory_space<vmem>>
      %dma_wait3A_79 = arith.constant 0 : i32
      %dma_wait3A_80 = arith.constant 0 : i32
      %dma_wait3A_81 = tpu.memref_slice %arg21[%dma_wait3A_79, %dma_wait3A_80] : memref<10240x128xf32, #tpu.memory_space<vmem_shared>> -> memref<10240x128xf32, #tpu.memory_space<vmem_shared>>
      tpu.wait_indirect_dma semaphore(%arg20 : memref<!tpu.dma_semaphore, #tpu.memory_space<semaphore_mem>>) src(%arg12 : memref<64x128xf32, #tpu.memory_space<vmem>>) dst(%dma_wait3A_81 : memref<10240x128xf32, #tpu.memory_space<vmem_shared>>)
      %scan3A_82 = arith.constant 0 : i32
      scf.yield %scan3A_82 : i32
    }
    %scan3A_10 = arith.constant 10 : i32
    %barrier3A_11 = arith.constant 0 : index
    tpu.barrier barrier_id(%barrier3A_11)
    %mul3A_12 = arith.constant 640 : i32
    %mul3A_13 = arith.muli %arg1, %mul3A_12 : i32
    %mul3A_14 = arith.constant 640 : i32
    %mul3A_15 = arith.muli %arg1, %mul3A_14 : i32
    "tpu.region"() ({
      %run_scoped3A = tpu.sem_alloc : memref<!tpu.dma_semaphore, #tpu.memory_space<semaphore_mem>>
      %dma_start3A = arith.constant 0 : i32
      %dma_start3A_16 = tpu.memref_slice %arg6[%arg0, %mul3A_15, %dma_start3A] : memref<2x10240x128xf32, #tpu.memory_space<hbm>> -> memref<1x640x128xf32, #tpu.memory_space<hbm>>
      %dma_start3A_17 = tpu.memref_squeeze %dma_start3A_16 : memref<1x640x128xf32, #tpu.memory_space<hbm>> -> memref<640x128xf32, #tpu.memory_space<hbm>>
      %dma_start3A_18 = arith.constant 0 : i32
      %dma_start3A_19 = tpu.memref_slice %arg21[%mul3A_13, %dma_start3A_18] : memref<10240x128xf32, #tpu.memory_space<vmem_shared>> -> memref<640x128xf32, #tpu.memory_space<vmem_shared>>
      tpu.enqueue_dma source(%dma_start3A_19 : memref<640x128xf32, #tpu.memory_space<vmem_shared>>) target(%dma_start3A_17 : memref<640x128xf32, #tpu.memory_space<hbm>>) target_semaphore(%run_scoped3A : memref<!tpu.dma_semaphore, #tpu.memory_space<semaphore_mem>>)
      %dma_wait3A = arith.constant 0 : i32
      %dma_wait3A_20 = tpu.memref_slice %arg6[%arg0, %mul3A_15, %dma_wait3A] : memref<2x10240x128xf32, #tpu.memory_space<hbm>> -> memref<1x640x128xf32, #tpu.memory_space<hbm>>
      %dma_wait3A_21 = tpu.memref_squeeze %dma_wait3A_20 : memref<1x640x128xf32, #tpu.memory_space<hbm>> -> memref<640x128xf32, #tpu.memory_space<hbm>>
      %dma_wait3A_22 = arith.constant 0 : i32
      %dma_wait3A_23 = tpu.memref_slice %arg21[%mul3A_13, %dma_wait3A_22] : memref<10240x128xf32, #tpu.memory_space<vmem_shared>> -> memref<640x128xf32, #tpu.memory_space<vmem_shared>>
      tpu.wait_dma2 semaphore(%run_scoped3A : memref<!tpu.dma_semaphore, #tpu.memory_space<semaphore_mem>>) src(%dma_wait3A_23 : memref<640x128xf32, #tpu.memory_space<vmem_shared>>) dst(%dma_wait3A_21 : memref<640x128xf32, #tpu.memory_space<hbm>>)
      tpu.yield
    }) : () -> ()
    return
  }
}

#map = affine_map<(d0, d1) -> (0)>
#map1 = affine_map<(d0, d1) -> (0, 0)>
module attributes {stable_mosaic.version = 14 : i64} {
  func.func @_sc_deg_body(%arg0: i32, %arg1: i32, %arg2: memref<640000xi32, #tpu.memory_space<hbm>>, %arg3: memref<32x10240xf32, #tpu.memory_space<hbm>>, %arg4: memref<400xi32, #tpu.memory_space<vmem>>, %arg5: memref<10240xf32, #tpu.memory_space<vmem>>) attributes {dimension_semantics = [#tpu.dimension_semantics<core_parallel>, #tpu.dimension_semantics<subcore_parallel>], iteration_bounds = array<i64: 2, 16>, scalar_prefetch = 0 : i64, scratch_operands = 2 : i64, tpu.core_type = #tpu.core_type<sc_vector_subcore>, window_params = [{transform_indices = #map}, {transform_indices = #map1}]} {
    %mul3A = arith.constant 2 : i32
    %mul3A_0 = arith.muli %arg1, %mul3A : i32
    %add3A = arith.addi %mul3A_0, %arg0 : i32
    %scan3A = arith.constant 0 : i32
    %scan3A_1 = arith.constant 0 : i32
    %scan3A_2 = arith.constant 640 : i32
    %scan3A_3 = arith.addi %scan3A_1, %scan3A_2 : i32
    %scan3A_4 = arith.constant 1 : i32
    %scan3A_5 = scf.for %scan3A_15 = %scan3A_1 to %scan3A_3 step %scan3A_4 iter_args(%scan3A_16 = %scan3A) -> (i32)  : i32 {
      %broadcast_in_dim3A_17 = arith.constant 0.000000e+00 : f32
      %broadcast_in_dim3A_18 = vector.broadcast %broadcast_in_dim3A_17 : f32 to vector<16xf32>
      %mul3A_19 = arith.constant 16 : i32
      %mul3A_20 = arith.muli %scan3A_15, %mul3A_19 : i32
      %swap3A = arith.index_cast %mul3A_20 : i32 to index
      %swap3A_21 = tpu.vector_load %arg5[%swap3A] {strides = array<i32>} : memref<10240xf32, #tpu.memory_space<vmem>>, vector<16xf32>,
      tpu.vector_store %arg5[%swap3A], %broadcast_in_dim3A_18 {strides = array<i32>} : memref<10240xf32, #tpu.memory_space<vmem>>, vector<16xf32>,
      %scan3A_22 = arith.constant 0 : i32
      scf.yield %scan3A_22 : i32
    }
    %scan3A_6 = arith.constant 640 : i32
    %broadcast_in_dim3A = arith.constant 1.000000e+00 : f32
    %broadcast_in_dim3A_7 = vector.broadcast %broadcast_in_dim3A : f32 to vector<16xf32>
    %scan3A_8 = arith.constant 0 : i32
    %scan3A_9 = arith.constant 0 : i32
    %scan3A_10 = arith.constant 25 : i32
    %scan3A_11 = arith.addi %scan3A_9, %scan3A_10 : i32
    %scan3A_12 = arith.constant 1 : i32
    %scan3A_13 = scf.for %scan3A_15 = %scan3A_9 to %scan3A_11 step %scan3A_12 iter_args(%scan3A_16 = %scan3A_8) -> (i32)  : i32 {
      %mul3A_17 = arith.constant 10000 : i32
      %mul3A_18 = arith.muli %add3A, %mul3A_17 : i32
      %add3A_19 = arith.constant 320000 : i32
      %add3A_20 = arith.addi %add3A_19, %mul3A_18 : i32
      %mul3A_21 = arith.constant 400 : i32
      %mul3A_22 = arith.muli %scan3A_15, %mul3A_21 : i32
      %add3A_23 = arith.addi %add3A_20, %mul3A_22 : i32
      "tpu.region"() ({
        %run_scoped3A = tpu.sem_alloc : memref<!tpu.dma_semaphore, #tpu.memory_space<semaphore_mem>>
        %dma_start3A = tpu.memref_slice %arg2[%add3A_23] : memref<640000xi32, #tpu.memory_space<hbm>> -> memref<400xi32, #tpu.memory_space<hbm>>
        %dma_start3A_32 = tpu.memref_slice %arg2[%add3A_23] : memref<640000xi32, #tpu.memory_space<hbm>> -> memref<400xi32, #tpu.memory_space<hbm>>
        tpu.enqueue_dma source(%dma_start3A_32 : memref<400xi32, #tpu.memory_space<hbm>>) target(%arg4 : memref<400xi32, #tpu.memory_space<vmem>>) target_semaphore(%run_scoped3A : memref<!tpu.dma_semaphore, #tpu.memory_space<semaphore_mem>>)
        %dma_wait3A = tpu.memref_slice %arg2[%add3A_23] : memref<640000xi32, #tpu.memory_space<hbm>> -> memref<400xi32, #tpu.memory_space<hbm>>
        %dma_wait3A_33 = tpu.memref_slice %arg2[%add3A_23] : memref<640000xi32, #tpu.memory_space<hbm>> -> memref<400xi32, #tpu.memory_space<hbm>>
        tpu.wait_dma2 semaphore(%run_scoped3A : memref<!tpu.dma_semaphore, #tpu.memory_space<semaphore_mem>>) src(%dma_wait3A_33 : memref<400xi32, #tpu.memory_space<hbm>>) dst(%arg4 : memref<400xi32, #tpu.memory_space<vmem>>)
        tpu.yield
      }) : () -> ()
      %scan3A_24 = arith.constant 0 : i32
      %scan3A_25 = arith.constant 0 : i32
      %scan3A_26 = arith.constant 25 : i32
      %scan3A_27 = arith.addi %scan3A_25, %scan3A_26 : i32
      %scan3A_28 = arith.constant 1 : i32
      %scan3A_29 = scf.for %scan3A_32 = %scan3A_25 to %scan3A_27 step %scan3A_28 iter_args(%scan3A_33 = %scan3A_24) -> (i32)  : i32 {
        %mul3A_34 = arith.constant 16 : i32
        %mul3A_35 = arith.muli %scan3A_32, %mul3A_34 : i32
        %get3A = arith.index_cast %mul3A_35 : i32 to index
        %get3A_36 = tpu.vector_load %arg4[%get3A] {strides = array<i32>} : memref<400xi32, #tpu.memory_space<vmem>>, vector<16xi32>,
        tpu.vector_store_idx %arg5[%get3A_36], %broadcast_in_dim3A_7 {add = true} : memref<10240xf32, #tpu.memory_space<vmem>>[vector<16xi32>], vector<16xf32>,
        %scan3A_37 = arith.constant 0 : i32
        scf.yield %scan3A_37 : i32
      }
      %scan3A_30 = arith.constant 25 : i32
      %scan3A_31 = arith.constant 0 : i32
      scf.yield %scan3A_31 : i32
    }
    %scan3A_14 = arith.constant 25 : i32
    "tpu.region"() ({
      %run_scoped3A = tpu.sem_alloc : memref<!tpu.dma_semaphore, #tpu.memory_space<semaphore_mem>>
      %dma_start3A = arith.constant 0 : i32
      %dma_start3A_15 = tpu.memref_slice %arg3[%add3A, %dma_start3A] : memref<32x10240xf32, #tpu.memory_space<hbm>> -> memref<1x10240xf32, #tpu.memory_space<hbm>>
      %dma_start3A_16 = tpu.memref_squeeze %dma_start3A_15 : memref<1x10240xf32, #tpu.memory_space<hbm>> -> memref<10240xf32, #tpu.memory_space<hbm>>
      %dma_start3A_17 = arith.constant 0 : i32
      %dma_start3A_18 = tpu.memref_slice %arg3[%add3A, %dma_start3A_17] : memref<32x10240xf32, #tpu.memory_space<hbm>> -> memref<1x10240xf32, #tpu.memory_space<hbm>>
      %dma_start3A_19 = tpu.memref_squeeze %dma_start3A_18 : memref<1x10240xf32, #tpu.memory_space<hbm>> -> memref<10240xf32, #tpu.memory_space<hbm>>
      tpu.enqueue_dma source(%arg5 : memref<10240xf32, #tpu.memory_space<vmem>>) target(%dma_start3A_19 : memref<10240xf32, #tpu.memory_space<hbm>>) target_semaphore(%run_scoped3A : memref<!tpu.dma_semaphore, #tpu.memory_space<semaphore_mem>>)
      %dma_wait3A = arith.constant 0 : i32
      %dma_wait3A_20 = tpu.memref_slice %arg3[%add3A, %dma_wait3A] : memref<32x10240xf32, #tpu.memory_space<hbm>> -> memref<1x10240xf32, #tpu.memory_space<hbm>>
      %dma_wait3A_21 = tpu.memref_squeeze %dma_wait3A_20 : memref<1x10240xf32, #tpu.memory_space<hbm>> -> memref<10240xf32, #tpu.memory_space<hbm>>
      %dma_wait3A_22 = arith.constant 0 : i32
      %dma_wait3A_23 = tpu.memref_slice %arg3[%add3A, %dma_wait3A_22] : memref<32x10240xf32, #tpu.memory_space<hbm>> -> memref<1x10240xf32, #tpu.memory_space<hbm>>
      %dma_wait3A_24 = tpu.memref_squeeze %dma_wait3A_23 : memref<1x10240xf32, #tpu.memory_space<hbm>> -> memref<10240xf32, #tpu.memory_space<hbm>>
      tpu.wait_dma2 semaphore(%run_scoped3A : memref<!tpu.dma_semaphore, #tpu.memory_space<semaphore_mem>>) src(%arg5 : memref<10240xf32, #tpu.memory_space<vmem>>) dst(%dma_wait3A_24 : memref<10240xf32, #tpu.memory_space<hbm>>)
      tpu.yield
    }) : () -> ()
    return
  }
}

module attributes {stable_mosaic.version = 14 : i64} {
  func.func @_tc_scale_body(%arg0: i32, %arg1: memref<2048x128xf32, #tpu.memory_space<vmem>>, %arg2: memref<128x128xf32, #tpu.memory_space<vmem>>, %arg3: memref<32x2048xf32, #tpu.memory_space<vmem>>, %arg4: memref<2048x128xf32, #tpu.memory_space<vmem>>, %arg5: memref<2048x1xf32, #tpu.memory_space<vmem>>) attributes {dimension_semantics = [#tpu.dimension_semantics<arbitrary>], iteration_bounds = array<i64: 5>, scalar_prefetch = 0 : i64, scratch_operands = 0 : i64, tpu.core_type = #tpu.core_type<tc>, window_params = [{transform_indices = @transform_0, window_bounds = array<i64: 2048, 128>}, {pipeline_mode = #tpu.pipeline_mode<synchronous>, transform_indices = @transform_1, window_bounds = array<i64: 128, 128>}, {transform_indices = @transform_2, window_bounds = array<i64: 32, 2048>}, {transform_indices = @transform_3, window_bounds = array<i64: 2048, 128>}, {transform_indices = @transform_4, window_bounds = array<i64: 2048, 1>}]} {
    %get3A = arith.constant 0 : index
    %get3A_0 = arith.constant 0 : index
    %get3A_1 = vector.load %arg3[%get3A, %get3A_0] : memref<32x2048xf32, #tpu.memory_space<vmem>>, vector<32x2048xf32>
    %reduce_sum3A = arith.constant dense<0.000000e+00> : vector<2048xf32>
    %reduce_sum3A_2 = vector.multi_reduction <add>, %get3A_1, %reduce_sum3A [0] : vector<32x2048xf32> to vector<2048xf32>
    %add3A = arith.constant 1.000000e+00 : f32
    %add3A_3 = vector.broadcast %add3A : f32 to vector<2048xf32>
    %add3A_4 = arith.addf %reduce_sum3A_2, %add3A_3 : vector<2048xf32>
    %rsqrt3A = math.rsqrt %add3A_4 : vector<2048xf32>
    %reshape3A = vector.shape_cast %rsqrt3A : vector<2048xf32> to vector<2048x1xf32>
    %get3A_5 = arith.constant 0 : index
    %get3A_6 = arith.constant 0 : index
    %get3A_7 = vector.load %arg1[%get3A_5, %get3A_6] : memref<2048x128xf32, #tpu.memory_space<vmem>>, vector<2048x128xf32>
    %get3A_8 = arith.constant 0 : index
    %get3A_9 = arith.constant 0 : index
    %get3A_10 = vector.load %arg2[%get3A_8, %get3A_9] : memref<128x128xf32, #tpu.memory_space<vmem>>, vector<128x128xf32>
    %dot_general3A = arith.constant dense<0.000000e+00> : vector<2048x128xf32>
    %dot_general3A_11 = tpu.matmul %get3A_7, %get3A_10, %dot_general3A {dimension_numbers = #tpu.dot_dimension_numbers<[1], [0], [0], [1], [0, 0, 1, 1], [], []>, transpose_lhs_hint = false} : vector<2048x128xf32>, vector<128x128xf32>, vector<2048x128xf32> -> vector<2048x128xf32>
    %mul3A = vector.broadcast %reshape3A : vector<2048x1xf32> to vector<2048x128xf32>
    %mul3A_12 = arith.mulf %dot_general3A_11, %mul3A : vector<2048x128xf32>
    %swap3A = arith.constant 0 : index
    %swap3A_13 = arith.constant 0 : index
    %swap3A_14 = vector.load %arg4[%swap3A, %swap3A_13] : memref<2048x128xf32, #tpu.memory_space<vmem>>, vector<2048x128xf32>
    tpu.vector_store %arg4[%swap3A, %swap3A_13], %mul3A_12 {strides = array<i32>} : memref<2048x128xf32, #tpu.memory_space<vmem>>, vector<2048x128xf32>,
    %swap3A_15 = arith.constant 0 : index
    %swap3A_16 = arith.constant 0 : index
    %swap3A_17 = vector.load %arg5[%swap3A_15, %swap3A_16] : memref<2048x1xf32, #tpu.memory_space<vmem>>, vector<2048x1xf32>
    tpu.vector_store %arg5[%swap3A_15, %swap3A_16], %reshape3A {strides = array<i32>} : memref<2048x1xf32, #tpu.memory_space<vmem>>, vector<2048x1xf32>,
    return
  }
  func.func @transform_0(%arg0: i32) -> (i32, i32) {
    %c0_i32 = arith.constant 0 : i32
    %c0_i32_0 = arith.constant 0 : i32
    return %arg0, %c0_i32 : i32, i32
  }
  func.func @transform_1(%arg0: i32) -> (i32, i32) {
    %c0_i32 = arith.constant 0 : i32
    %c0_i32_0 = arith.constant 0 : i32
    %c0_i32_1 = arith.constant 0 : i32
    return %c0_i32, %c0_i32_0 : i32, i32
  }
  func.func @transform_2(%arg0: i32) -> (i32, i32) {
    %c0_i32 = arith.constant 0 : i32
    %c0_i32_0 = arith.constant 0 : i32
    return %c0_i32, %arg0 : i32, i32
  }
  func.func @transform_3(%arg0: i32) -> (i32, i32) {
    %c0_i32 = arith.constant 0 : i32
    %c0_i32_0 = arith.constant 0 : i32
    return %arg0, %c0_i32 : i32, i32
  }
  func.func @transform_4(%arg0: i32) -> (i32, i32) {
    %c0_i32 = arith.constant 0 : i32
    %c0_i32_0 = arith.constant 0 : i32
    return %arg0, %c0_i32 : i32, i32
  }
}

module attributes {stable_mosaic.version = 14 : i64} {
  func.func @_tc_final_body(%arg0: i32, %arg1: memref<2x2048x128xf32, #tpu.memory_space<vmem>>, %arg2: memref<2048x128xf32, #tpu.memory_space<vmem>>, %arg3: memref<2048x1xf32, #tpu.memory_space<vmem>>, %arg4: memref<1x128xf32, #tpu.memory_space<vmem>>, %arg5: memref<1x1x2048xi32, #tpu.memory_space<vmem>>, %arg6: memref<128x128xf32, #tpu.memory_space<vmem>>, %arg7: memref<1x128xf32, #tpu.memory_space<vmem>>, %arg8: memref<64x128xf32, #tpu.memory_space<vmem>>, %arg9: memref<64x128xf32, #tpu.memory_space<vmem>>, %arg10: memref<64x128xf32, #tpu.memory_space<vmem>>) attributes {dimension_semantics = [#tpu.dimension_semantics<arbitrary>], iteration_bounds = array<i64: 5>, scalar_prefetch = 0 : i64, scratch_operands = 2 : i64, tpu.core_type = #tpu.core_type<tc>, window_params = [{transform_indices = @transform_0, window_bounds = array<i64: 2, 2048, 128>}, {transform_indices = @transform_1, window_bounds = array<i64: 2048, 128>}, {transform_indices = @transform_2, window_bounds = array<i64: 2048, 1>}, {pipeline_mode = #tpu.pipeline_mode<synchronous>, transform_indices = @transform_3, window_bounds = array<i64: 1, 128>}, {transform_indices = @transform_4, window_bounds = array<i64: 1, 1, 2048>}, {pipeline_mode = #tpu.pipeline_mode<synchronous>, transform_indices = @transform_5, window_bounds = array<i64: 128, 128>}, {pipeline_mode = #tpu.pipeline_mode<synchronous>, transform_indices = @transform_6, window_bounds = array<i64: 1, 128>}, {pipeline_mode = #tpu.pipeline_mode<synchronous>, transform_indices = @transform_7, window_bounds = array<i64: 64, 128>}]} {
    %eq3A = arith.constant 0 : i32
    %eq3A_0 = arith.cmpi eq, %arg0, %eq3A : i32
    %convert_element_type3A = arith.extui %eq3A_0 : i1 to i32
    %cond3A = arith.constant 0 : i32
    %cond3A_1 = arith.cmpi ne, %convert_element_type3A, %cond3A : i32
    scf.if %cond3A_1 {
      %broadcast_in_dim3A_58 = arith.constant 0.000000e+00 : f32
      %broadcast_in_dim3A_59 = vector.broadcast %broadcast_in_dim3A_58 : f32 to vector<64x128xf32>
      %swap3A_60 = arith.constant 0 : index
      %swap3A_61 = arith.constant 0 : index
      %swap3A_62 = vector.load %arg9[%swap3A_60, %swap3A_61] : memref<64x128xf32, #tpu.memory_space<vmem>>, vector<64x128xf32>
      tpu.vector_store %arg9[%swap3A_60, %swap3A_61], %broadcast_in_dim3A_59 {strides = array<i32>} : memref<64x128xf32, #tpu.memory_space<vmem>>, vector<64x128xf32>,
      %broadcast_in_dim3A_63 = arith.constant 0.000000e+00 : f32
      %broadcast_in_dim3A_64 = vector.broadcast %broadcast_in_dim3A_63 : f32 to vector<64x128xf32>
      %swap3A_65 = arith.constant 0 : index
      %swap3A_66 = arith.constant 0 : index
      %swap3A_67 = vector.load %arg10[%swap3A_65, %swap3A_66] : memref<64x128xf32, #tpu.memory_space<vmem>>, vector<64x128xf32>
      tpu.vector_store %arg10[%swap3A_65, %swap3A_66], %broadcast_in_dim3A_64 {strides = array<i32>} : memref<64x128xf32, #tpu.memory_space<vmem>>, vector<64x128xf32>,
    } else {
    }
    %get3A = arith.constant 0 : index
    %get3A_2 = arith.constant 0 : index
    %get3A_3 = arith.constant 0 : index
    %get3A_4 = vector.load %arg1[%get3A, %get3A_2, %get3A_3] : memref<2x2048x128xf32, #tpu.memory_space<vmem>>, vector<1x2048x128xf32>
    %get3A_5 = vector.shape_cast %get3A_4 : vector<1x2048x128xf32> to vector<2048x128xf32>
    %get3A_6 = arith.constant 1 : index
    %get3A_7 = arith.constant 0 : index
    %get3A_8 = arith.constant 0 : index
    %get3A_9 = vector.load %arg1[%get3A_6, %get3A_7, %get3A_8] : memref<2x2048x128xf32, #tpu.memory_space<vmem>>, vector<1x2048x128xf32>
    %get3A_10 = vector.shape_cast %get3A_9 : vector<1x2048x128xf32> to vector<2048x128xf32>
    %add3A = arith.addf %get3A_5, %get3A_10 : vector<2048x128xf32>
    %get3A_11 = arith.constant 0 : index
    %get3A_12 = arith.constant 0 : index
    %get3A_13 = vector.load %arg3[%get3A_11, %get3A_12] : memref<2048x1xf32, #tpu.memory_space<vmem>>, vector<2048x1xf32>
    %get3A_14 = arith.constant 0 : index
    %get3A_15 = arith.constant 0 : index
    %get3A_16 = vector.load %arg2[%get3A_14, %get3A_15] : memref<2048x128xf32, #tpu.memory_space<vmem>>, vector<2048x128xf32>
    %add3A_17 = arith.addf %add3A, %get3A_16 : vector<2048x128xf32>
    %mul3A = vector.broadcast %get3A_13 : vector<2048x1xf32> to vector<2048x128xf32>
    %mul3A_18 = arith.mulf %mul3A, %add3A_17 : vector<2048x128xf32>
    %get3A_19 = arith.constant 0 : index
    %get3A_20 = arith.constant 0 : index
    %get3A_21 = vector.load %arg4[%get3A_19, %get3A_20] : memref<1x128xf32, #tpu.memory_space<vmem>>, vector<1x128xf32>
    %add3A_22 = vector.broadcast %get3A_21 : vector<1x128xf32> to vector<2048x128xf32>
    %add3A_23 = arith.addf %mul3A_18, %add3A_22 : vector<2048x128xf32>
    %max3A = arith.constant 0.000000e+00 : f32
    %max3A_24 = vector.broadcast %max3A : f32 to vector<2048x128xf32>
    %max3A_25 = arith.maximumf %add3A_23, %max3A_24 : vector<2048x128xf32>
    %get3A_26 = arith.constant 0 : index
    %get3A_27 = arith.constant 0 : index
    %get3A_28 = arith.constant 0 : index
    %get3A_29 = vector.load %arg5[%get3A_26, %get3A_27, %get3A_28] : memref<1x1x2048xi32, #tpu.memory_space<vmem>>, vector<1x1x2048xi32>
    %get3A_30 = vector.shape_cast %get3A_29 : vector<1x1x2048xi32> to vector<2048xi32>
    %iota3A = tpu.iota {dimensions = array<i32: 0>} : vector<64x2048xi32>
    %broadcast_in_dim3A = vector.shape_cast %get3A_30 : vector<2048xi32> to vector<1x2048xi32>
    %eq3A_31 = vector.broadcast %broadcast_in_dim3A : vector<1x2048xi32> to vector<64x2048xi32>
    %eq3A_32 = arith.cmpi eq, %eq3A_31, %iota3A : vector<64x2048xi32>
    %convert_element_type3A_33 = arith.extui %eq3A_32 : vector<64x2048xi1> to vector<64x2048xi32>
    %convert_element_type3A_34 = arith.sitofp %convert_element_type3A_33 : vector<64x2048xi32> to vector<64x2048xf32>
    %get3A_35 = arith.constant 0 : index
    %get3A_36 = arith.constant 0 : index
    %get3A_37 = vector.load %arg9[%get3A_35, %get3A_36] : memref<64x128xf32, #tpu.memory_space<vmem>>, vector<64x128xf32>
    %dot_general3A = arith.constant dense<0.000000e+00> : vector<64x128xf32>
    %dot_general3A_38 = tpu.matmul %convert_element_type3A_34, %max3A_25, %dot_general3A {dimension_numbers = #tpu.dot_dimension_numbers<[1], [0], [0], [1], [0, 0, 1, 1], [], []>, transpose_lhs_hint = false} : vector<64x2048xf32>, vector<2048x128xf32>, vector<64x128xf32> -> vector<64x128xf32>
    %add3A_39 = arith.addf %get3A_37, %dot_general3A_38 : vector<64x128xf32>
    %swap3A = arith.constant 0 : index
    %swap3A_40 = arith.constant 0 : index
    %swap3A_41 = vector.load %arg9[%swap3A, %swap3A_40] : memref<64x128xf32, #tpu.memory_space<vmem>>, vector<64x128xf32>
    tpu.vector_store %arg9[%swap3A, %swap3A_40], %add3A_39 {strides = array<i32>} : memref<64x128xf32, #tpu.memory_space<vmem>>, vector<64x128xf32>,
    %get3A_42 = arith.constant 0 : index
    %get3A_43 = arith.constant 0 : index
    %get3A_44 = vector.load %arg10[%get3A_42, %get3A_43] : memref<64x128xf32, #tpu.memory_space<vmem>>, vector<64x128xf32>
    %reduce_sum3A = arith.constant dense<0.000000e+00> : vector<64xf32>
    %reduce_sum3A_45 = vector.multi_reduction <add>, %convert_element_type3A_34, %reduce_sum3A [1] : vector<64x2048xf32> to vector<64xf32>
    %broadcast_in_dim3A_46 = vector.shape_cast %reduce_sum3A_45 : vector<64xf32> to vector<64x1xf32>
    %broadcast_in_dim3A_47 = vector.shape_cast %broadcast_in_dim3A_46 : vector<64x1xf32> to vector<64x1xf32>
    %broadcast_in_dim3A_48 = vector.broadcast %broadcast_in_dim3A_47 : vector<64x1xf32> to vector<64x128xf32>
    %add3A_49 = arith.addf %get3A_44, %broadcast_in_dim3A_48 : vector<64x128xf32>
    %swap3A_50 = arith.constant 0 : index
    %swap3A_51 = arith.constant 0 : index
    %swap3A_52 = vector.load %arg10[%swap3A_50, %swap3A_51] : memref<64x128xf32, #tpu.memory_space<vmem>>, vector<64x128xf32>
    tpu.vector_store %arg10[%swap3A_50, %swap3A_51], %add3A_49 {strides = array<i32>} : memref<64x128xf32, #tpu.memory_space<vmem>>, vector<64x128xf32>,
    %eq3A_53 = arith.constant 4 : i32
    %eq3A_54 = arith.cmpi eq, %arg0, %eq3A_53 : i32
    %convert_element_type3A_55 = arith.extui %eq3A_54 : i1 to i32
    %cond3A_56 = arith.constant 0 : i32
    %cond3A_57 = arith.cmpi ne, %convert_element_type3A_55, %cond3A_56 : i32
    scf.if %cond3A_57 {
      %get3A_58 = arith.constant 0 : index
      %get3A_59 = arith.constant 0 : index
      %get3A_60 = vector.load %arg9[%get3A_58, %get3A_59] : memref<64x128xf32, #tpu.memory_space<vmem>>, vector<64x128xf32>
      %get3A_61 = arith.constant 0 : index
      %get3A_62 = arith.constant 0 : index
      %get3A_63 = vector.load %arg10[%get3A_61, %get3A_62] : memref<64x128xf32, #tpu.memory_space<vmem>>, vector<64x128xf32>
      %max3A_64 = arith.constant 1.000000e+00 : f32
      %max3A_65 = vector.broadcast %max3A_64 : f32 to vector<64x128xf32>
      %max3A_66 = arith.maximumf %get3A_63, %max3A_65 : vector<64x128xf32>
      %div3A = arith.divf %get3A_60, %max3A_66 : vector<64x128xf32>
      %get3A_67 = arith.constant 0 : index
      %get3A_68 = arith.constant 0 : index
      %get3A_69 = vector.load %arg6[%get3A_67, %get3A_68] : memref<128x128xf32, #tpu.memory_space<vmem>>, vector<128x128xf32>
      %dot_general3A_70 = arith.constant dense<0.000000e+00> : vector<64x128xf32>
      %dot_general3A_71 = tpu.matmul %div3A, %get3A_69, %dot_general3A_70 {dimension_numbers = #tpu.dot_dimension_numbers<[1], [0], [0], [1], [0, 0, 1, 1], [], []>, transpose_lhs_hint = false} : vector<64x128xf32>, vector<128x128xf32>, vector<64x128xf32> -> vector<64x128xf32>
      %get3A_72 = arith.constant 0 : index
      %get3A_73 = arith.constant 0 : index
      %get3A_74 = vector.load %arg7[%get3A_72, %get3A_73] : memref<1x128xf32, #tpu.memory_space<vmem>>, vector<1x128xf32>
      %add3A_75 = vector.broadcast %get3A_74 : vector<1x128xf32> to vector<64x128xf32>
      %add3A_76 = arith.addf %dot_general3A_71, %add3A_75 : vector<64x128xf32>
      %iota3A_77 = tpu.iota {dimensions = array<i32: 1>} : vector<64x128xi32>
      %lt3A = arith.constant 3 : i32
      %lt3A_78 = vector.broadcast %lt3A : i32 to vector<64x128xi32>
      %lt3A_79 = arith.cmpi slt, %iota3A_77, %lt3A_78 : vector<64x128xi32>
      %broadcast_in_dim3A_80 = arith.constant 0xFF800000 : f32
      %broadcast_in_dim3A_81 = vector.broadcast %broadcast_in_dim3A_80 : f32 to vector<64x128xf32>
      %select_n3A = arith.select %lt3A_79, %add3A_76, %broadcast_in_dim3A_81 : vector<64x128xi1>, vector<64x128xf32>
      %reduce_max3A = arith.constant dense<0xFF800000> : vector<64xf32>
      %reduce_max3A_82 = vector.multi_reduction <maximumf>, %select_n3A, %reduce_max3A [1] : vector<64x128xf32> to vector<64xf32>
      %broadcast_in_dim3A_83 = vector.shape_cast %reduce_max3A_82 : vector<64xf32> to vector<64x1xf32>
      %sub3A = vector.broadcast %broadcast_in_dim3A_83 : vector<64x1xf32> to vector<64x128xf32>
      %sub3A_84 = arith.subf %add3A_76, %sub3A : vector<64x128xf32>
      %exp3A = math.exp %sub3A_84 : vector<64x128xf32>
      %jit3A = arith.constant 0.000000e+00 : f32
      %broadcast_in_dim3A_85 = vector.broadcast %jit3A : f32 to vector<64x128xf32>
      %select_n3A_86 = arith.select %lt3A_79, %exp3A, %broadcast_in_dim3A_85 : vector<64x128xi1>, vector<64x128xf32>
      %reduce_sum3A_87 = arith.constant dense<0.000000e+00> : vector<64xf32>
      %reduce_sum3A_88 = vector.multi_reduction <add>, %select_n3A_86, %reduce_sum3A_87 [1] : vector<64x128xf32> to vector<64xf32>
      %broadcast_in_dim3A_89 = vector.shape_cast %reduce_sum3A_88 : vector<64xf32> to vector<64x1xf32>
      %log3A = math.log %broadcast_in_dim3A_89 : vector<64x1xf32>
      %sub3A_90 = vector.broadcast %broadcast_in_dim3A_83 : vector<64x1xf32> to vector<64x128xf32>
      %sub3A_91 = arith.subf %add3A_76, %sub3A_90 : vector<64x128xf32>
      %sub3A_92 = vector.broadcast %log3A : vector<64x1xf32> to vector<64x128xf32>
      %sub3A_93 = arith.subf %sub3A_91, %sub3A_92 : vector<64x128xf32>
      %swap3A_94 = arith.constant 0 : index
      %swap3A_95 = arith.constant 0 : index
      %swap3A_96 = vector.load %arg8[%swap3A_94, %swap3A_95] : memref<64x128xf32, #tpu.memory_space<vmem>>, vector<64x128xf32>
      tpu.vector_store %arg8[%swap3A_94, %swap3A_95], %sub3A_93 {strides = array<i32>} : memref<64x128xf32, #tpu.memory_space<vmem>>, vector<64x128xf32>,
    } else {
    }
    return
  }
  func.func @transform_0(%arg0: i32) -> (i32, i32, i32) {
    %c0_i32 = arith.constant 0 : i32
    %c0_i32_0 = arith.constant 0 : i32
    %c0_i32_1 = arith.constant 0 : i32
    return %c0_i32, %arg0, %c0_i32_0 : i32, i32, i32
  }
  func.func @transform_1(%arg0: i32) -> (i32, i32) {
    %c0_i32 = arith.constant 0 : i32
    %c0_i32_0 = arith.constant 0 : i32
    return %arg0, %c0_i32 : i32, i32
  }
  func.func @transform_2(%arg0: i32) -> (i32, i32) {
    %c0_i32 = arith.constant 0 : i32
    %c0_i32_0 = arith.constant 0 : i32
    return %arg0, %c0_i32 : i32, i32
  }
  func.func @transform_3(%arg0: i32) -> (i32, i32) {
    %c0_i32 = arith.constant 0 : i32
    %c0_i32_0 = arith.constant 0 : i32
    %c0_i32_1 = arith.constant 0 : i32
    return %c0_i32, %c0_i32_0 : i32, i32
  }
  func.func @transform_4(%arg0: i32) -> (i32, i32, i32) {
    %c0_i32 = arith.constant 0 : i32
    %c0_i32_0 = arith.constant 0 : i32
    %c0_i32_1 = arith.constant 0 : i32
    return %arg0, %c0_i32, %c0_i32_0 : i32, i32, i32
  }
  func.func @transform_5(%arg0: i32) -> (i32, i32) {
    %c0_i32 = arith.constant 0 : i32
    %c0_i32_0 = arith.constant 0 : i32
    %c0_i32_1 = arith.constant 0 : i32
    return %c0_i32, %c0_i32_0 : i32, i32
  }
  func.func @transform_6(%arg0: i32) -> (i32, i32) {
    %c0_i32 = arith.constant 0 : i32
    %c0_i32_0 = arith.constant 0 : i32
    %c0_i32_1 = arith.constant 0 : i32
    return %c0_i32, %c0_i32_0 : i32, i32
  }
  func.func @transform_7(%arg0: i32) -> (i32, i32) {
    %c0_i32 = arith.constant 0 : i32
    %c0_i32_0 = arith.constant 0 : i32
    %c0_i32_1 = arith.constant 0 : i32
    return %c0_i32, %c0_i32_0 : i32, i32
  }
}

</mosaic_0001>

<sc_bundles>
// kernel: kernel.6.cloned.1.call-start
scs
__scs_entry_jumppad:
0x0: {  	(pc) =	sbr.rel $0x88, $3  }
0x1: {  	(tag) =	ssettag $0x0;
	lr =	simm.s32 $0x1  }
0x2: {  	[smem:$0x3F9A] =	sst lr;
	_ =	strace $0xD0000000  }
0x3: {  	_ = 	snop  }
0x4: {  	_ = 	snop  }
0x5: {  	_ = 	snop  }
0x6: {  	_ = 	snop  }
0x7: {  	_ = 	snop  }
__scs_overlays_trampoline_lowered:
0x8: {  	[smem:$0x3FA9] =	sst s0  }
0x9: {  	[smem:$0x3FAA] =	sst s1  }
0xa: {  	[smem:$0x3FAB] =	sst s2  }
0xb: {  	[smem:$0x3FAC] =	sst s3  }
0xc: {  	[smem:$0x3FAD] =	sst s4  }
0xd: {  	[smem:$0x3FAE] =	sst s5  }
0xe: {  	[smem:$0x3FAF] =	sst s6  }
0xf: {  	[smem:$0x3FB0] =	sst s7  }
0x10: {  	[smem:$0x3FB1] =	sst s8  }
0x11: {  	[smem:$0x3FB2] =	sst s9;
	s0 =	simm.s32 @!p0 $0x0  }
0x12: {  	s1 =	sld [smem:$0x3F98];
	s0 =	simm.s32 @p0 $0x1  }
0x13: {  	[smem:$0x3FB3] =	sst s0;
	s0 =	simm.s32 @!p1 $0x0  }
0x14: {  	s2 =	sld [smem:$0x3F97];
	s0 =	simm.s32 @p1 $0x1  }
0x15: {  	[smem:$0x3FB4] =	sst s0;
	s0 =	simm.s32 @!p2 $0x0  }
0x16: {  	s3 =	sld [smem:$0x3FDB];
	s0 =	simm.s32 @p2 $0x1  }
0x17: {  	s4 =	simm.s32 $0x1BF5;
	[smem:$0x3FB6] =	sst s0  }
0x18: {  	s0 =	sld [smem:$0x3F99];
	_ =	swait.ge [sflag:s4], $0x0  }
0x19: {  	s7 =	sld [smem:$0x3F9A]  }
0x1a: {  	s8 =	sadd.s32 $0xFFFFE003, lr  }
0x1b: {  	s9 =	sadd.s32 $0xFFFFFEF7, lr;
	s5 =	simm.s32 $0xFFFFFFFF;
	p2 =	slt.u32 s8, $0xFFFFF086  }
0x1c: {  	p1 =	slt.u32 s9, $0xF7A;
	s5 =	simm.s32 @!p2 $0x0  }
0x1d: {  	s5 =	simm.s32 @p1 $0x1;
	p0 =	seq.s32 s7, s2  }
0x1e: {  	s7 =	smul.u32 @!p0 $0xF7A, s2;
	p2 =	seq.s32 @!p0 s5, $0x0  }
0x1f: {  	s9 =	smul.u32 $0xF7A, s1;
	s8 =	simm.s32 @!p0 $0x1BF5;
	p2 =	por !p2, p0  }
0x20: {  	[sflag:s8] =	ssyncset.s32 @!p0 $0xFFFFF086;
	s6 =	sadd.s32 @!p0 s3, s7;
	s7 =	simm.s32 @!p0 $0x108  }
0x21: {  	s3 =	sadd.s32 s3, s9;
	s6 =	sadd.s32 @!p0 $0x88, s6;
	s7 =	simm.s32 @p2 $0x1082  }
0x22: {  	[simem:s7], [sflag:s8] =	dma.local @!p0 [hbm:s6], $0xF7A  }
0x23: {  	s9 =	sor.u32 $0xD0000000, s2;
	s6 =	simm.s32 $0x108;
	_ =	swait.ge @!p0 [sflag:s8], $0x0  }
0x24: {  	s3 =	sadd.s32 $0x88, s3;
	s6 =	simm.s32 @!p1 $0x1082;
	[sflag:s4] =	ssyncset.s32 $0xFFFFF086  }
0x25: {  	[simem:s6], [sflag:s4] =	dma.local [hbm:s3], $0xF7A  }
0x26: {  	[smem:$0x3F9A] =	sst s1;
	(tag) =	ssettag s2;
	_ =	strace s9  }
0x27: {  	s1 =	sld [smem:$0x3FAA]  }
0x28: {  	s2 =	sld [smem:$0x3FAB]  }
0x29: {  	s4 =	sld [smem:$0x3FAD]  }
0x2a: {  	p0 =	seq.s32 s5, $0x0;
	s5 =	sld [smem:$0x3FAE]  }
0x2b: {  	s6 =	sld [smem:$0x3FAF]  }
0x2c: {  	s7 =	sld [smem:$0x3FB0]  }
0x2d: {  	s3 =	simm.s32 $0x108;
	s8 =	sld [smem:$0x3FB1]  }
0x2e: {  	s3 =	simm.s32 @!p0 $0x1082;
	s9 =	sld [smem:$0x3FB2]  }
0x2f: {  	lr =	sadd.s32 s0, s3;
	s0 =	sld [smem:$0x3FA9]  }
0x30: {  	s3 =	sld [smem:$0x3FAC]  }
0x31: {  	[smem:$0x3FB5] =	sst s10  }
0x32: {  	s10 =	sld [smem:$0x3FB3];
	_ =	sdelay $0x3  }
0x33: {  	p0 =	seq.s32 s10, $0x1;
	s10 =	sld [smem:$0x3FB5];
	_ =	sdelay $0x3  }
0x34: {  	[smem:$0x3FB5] =	sst s10  }
0x35: {  	s10 =	sld [smem:$0x3FB4];
	_ =	sdelay $0x3  }
0x36: {  	p1 =	seq.s32 s10, $0x1;
	s10 =	sld [smem:$0x3FB5];
	_ =	sdelay $0x3  }
0x37: {  	[smem:$0x3FB5] =	sst s10  }
0x38: {  	s10 =	sld [smem:$0x3FB6]  }
0x39: {  	_ = 	snop;
	(pc) =	sbr.ind lr, $3  }
0x3a: {  	_ = 	snop  }
0x3b: {  	_ = 	snop  }
0x3c: {  	p2 =	seq.s32 s10, $0x1;
	s10 =	sld [smem:$0x3FB5]  }
0x3d: {  	_ =	shalt  }
0x3e: {  	_ =	shalt  }
0x3f: {  	_ =	shalt  }
0x40: {  	_ =	shalt  }
0x41: {  	_ =	shalt  }
0x42: {  	_ =	shalt  }
0x43: {  	_ =	shalt  }
0x44: {  	_ =	shalt  }
0x45: {  	_ =	shalt  }
0x46: {  	_ =	shalt  }
0x47: {  	_ =	shalt  }
0x48: {  	_ =	shalt  }
0x49: {  	_ =	shalt  }
0x4a: {  	_ =	shalt  }
0x4b: {  	_ =	shalt  }
0x4c: {  	_ =	shalt  }
0x4d: {  	_ =	shalt  }
0x4e: {  	_ =	shalt  }
0x4f: {  	_ =	shalt  }
0x50: {  	_ =	shalt  }
0x51: {  	_ =	shalt  }
0x52: {  	_ =	shalt  }
0x53: {  	_ =	shalt  }
0x54: {  	_ =	shalt  }
0x55: {  	_ =	shalt  }
0x56: {  	_ =	shalt  }
0x57: {  	_ =	shalt  }
0x58: {  	_ =	shalt  }
0x59: {  	_ =	shalt  }
0x5a: {  	_ =	shalt  }
0x5b: {  	_ =	shalt  }
0x5c: {  	_ =	shalt  }
0x5d: {  	_ =	shalt  }
0x5e: {  	_ =	shalt  }
0x5f: {  	_ =	shalt  }
0x60: {  	_ =	shalt  }
0x61: {  	_ =	shalt  }
0x62: {  	_ =	shalt  }
0x63: {  	_ =	shalt  }
0x64: {  	_ =	shalt  }
0x65: {  	_ =	shalt  }
0x66: {  	_ =	shalt  }
0x67: {  	_ =	shalt  }
0x68: {  	_ =	shalt  }
0x69: {  	_ =	shalt  }
0x6a: {  	_ =	shalt  }
0x6b: {  	_ =	shalt  }
0x6c: {  	_ =	shalt  }
0x6d: {  	_ =	shalt  }
0x6e: {  	_ =	shalt  }
0x6f: {  	_ =	shalt  }
0x70: {  	_ =	shalt  }
0x71: {  	_ =	shalt  }
0x72: {  	_ =	shalt  }
0x73: {  	_ =	shalt  }
0x74: {  	_ =	shalt  }
0x75: {  	_ =	shalt  }
0x76: {  	_ =	shalt  }
0x77: {  	_ =	shalt  }
0x78: {  	_ =	shalt  }
0x79: {  	_ =	shalt  }
0x7a: {  	_ =	shalt  }
0x7b: {  	_ =	shalt  }
0x7c: {  	_ =	shalt  }
0x7d: {  	_ =	shalt  }
0x7e: {  	_ =	shalt  }
0x7f: {  	_ =	shalt  }
0x80: {  	_ =	shalt  }
0x81: {  	_ =	shalt  }
0x82: {  	_ =	shalt  }
0x83: {  	_ =	shalt  }
0x84: {  	_ =	shalt  }
0x85: {  	_ =	shalt  }
0x86: {  	_ =	shalt  }
0x87: {  	_ =	shalt  }
.Lfunc_end0:
.L_simem_size_0:
called_computation_lowered:
.L_overlay_start_0:
0x88: {  	s2 =	sld [smem:$0x3FD9]  }
0x89: {  	s3 =	sld [smem:$0x3FFE];
	_ =	sdelay $0x1  }
0x8a: {  	s1 =	srdreg.scid  }
0x8b: {  	s0 =	sand.u32 $0x1, s1  }
0x8c: {  	s16 =	sshll.u32 s0, $0xA;
	s2 =	sadd.s32 s3, s2  }
0x8d: {  	s2 =	sadd.s32 s2, s16  }
0x8e: {  	[smem:$0x3FC1] =	sst s2  }
0x8f: {  	_ = 	snop  }
0x90: {  	(tm) =	ssettm $0x1  }
0x91: {  	s17 =	sld [smem:$0x3FFB];
	_ =	sdelay $0x3  }
0x92: {  	_ =	strace s17  }
0x93: {  	s2 =	sld [smem:$0x3FFC];
	_ =	sdelay $0x3  }
0x94: {  	_ =	strace s2  }
0x95: {  	s2 =	sld [smem:$0x3FFD];
	_ =	sdelay $0x3  }
0x96: {  	_ =	strace s2  }
0x97: {  	_ =	strace $0x8FFFFFFF  }
0x98: {  	s18 =	sld [smem:$0x3FDB];
	_ =	sdelay $0x1  }
0x99: {  	s19 =	simm.s32 $_scs_section_size  }
0x9a: {  	s4 =	simm.s32 $_size__tile_overlayer_lowered;
	s5 =	simm.s32 $_tile_overlayer_lowered  }
0x9b: {  	s22 =	simm.s32 $0x1BFF;
	s21 =	sshll.u32 s5, $0x1;
	s2 =	sadd.s32 s19, s18  }
0x9c: {  	s6 =	simm.s32 $0x0;
	s20 =	sshll.u32 s4, $0x1;
	s4 =	sadd.s32 s21, s2  }
0x9d: {  	[timem:s6], [sflag:s22] =	dma.local [hbm:s4], s20  }
0x9e: {  	_ =	swait.ge [sflag:s22], s20  }
0x9f: {  	s3 =	ssub.s32 $0x0, s20;
	[sflag:s22] =	ssyncset.done $0x0  }
0xa0: {  	[sflag:s22] =	ssyncadd.s32 s3;
	_ =	sdelay $0x1  }
0xa1: {  	s23 =	simm.s32 $0x1B8B  }
0xa2: {  	_ =	swait.ge [sflag:s23], $0x1  }
0xa3: {  	[sflag:s23] =	ssyncset.done $0x0  }
0xa4: {  	s25 =	simm.s32 $0x1B8E;
	s24 =	sld [smem:$0x3FFE];
	[sflag:s23] =	ssyncadd.s32 $0xFFFFFFFF  }
0xa5: {  	s26 =	simm.s32 $execute0_lowered;
	[smem:$0x3FD2] =	sst s25  }
0xa6: {  	s4 =	sshll.u32 s26, $0x1;
	_ =	strace $0x80000046;
	[dreg:$0x1] =	wrdreg $0xFFFFFFFF  }
0xa7: {  	s28 =	simm.s32 $_size_execute0_lowered;
	s2 =	sadd.s32 s2, s4;
	[dreg:$0x0] =	wrdreg $0x0  }
0xa8: {  	s4 =	sshll.u32 s28, $0x1;
	[dreg:$0x2] =	wrdreg s2  }
0xa9: {  	[dreg:$0x3] =	wrdreg s4  }
0xaa: {  	[dreg:$0x4] =	wrdreg $0xC0  }
0xab: {  	_ =	task [dreg:s6], $0x5FFFF  }
0xac: {  	[dreg:$0x1] =	wrdreg $0xFFFFFFFF  }
0xad: {  	[dreg:$0x0] =	wrdreg $0x60  }
0xae: {  	[dreg:$0x2] =	wrdreg s24  }
0xaf: {  	[dreg:$0x3] =	wrdreg $0x9  }
0xb0: {  	_ =	task.clear_ibuf [dreg:s6], $0x4FFFF;
	_ =	strace $0x90000046  }
0xb1: {  	s29 =	simm.s32 $0x9;
	_ =	strace $0x80000048  }
0xb2: {  	_ =	swait.ge [sflag:s29], $0x1  }
0xb3: {  	[sflag:s29] =	ssyncadd.s32 $0xFFFFFFFF  }
0xb4: {  	_ =	strace $0x90000048  }
0xb5: {  	_ =	sfence  }
0xb6: {  	s30 =	sld [smem:$0x0];
	_ =	sdelay $0x2  }
0xb7: {  	s31 =	sshll.u32 s1, $0xD;
	s1 =	sshrl.u32 s1, $0x2  }
0xb8: {  	s3 =	sand.u32 $0x4000, s31;
	s1 =	sadd.s32 s1, s30  }
0xb9: {  	s0 =	sor.u32 s3, s0;
	s1 =	sshll.u32 s1, $0x11  }
0xba: {  	s0 =	sor.u32 s1, s0  }
0xbb: {  	s0 =	sadd.s32 $0x8F2B, s0  }
0xbc: {  	[sflag:s0] =	ssyncadd.remote.s32 $0x1  }
0xbd: {  	_ =	sfence.sel $0xFFFF  }
0xbe: {  	[dreg:$0x0] =	wrdreg $0xFFFFFFFF;
	(pc) =	sbr.abs _section_cstart, $3  }
0xbf: {  	[dreg:$0x1] =	wrdreg $0xFFFFFFFF  }
0xc0: {  	_ =	task.clear_ibuf [dreg:s6], $0x2FFFF;
	_ =	strace $0x9FFFFFFF  }
0xc1: {  	(tm) =	ssettm $0x7FFFFFFF  }
tec
execute0_lowered:
.L_overlay_start_1:
0x0: {  	(tag) =	ssettag $0x1  }
0x1: {  	s1 =	srdreg.scid  }
0x2: {  	s0 =	stileid.u32;
	s3 =	rddreg [dreg:$0x0];
	s2 =	simm.s32 $0x0  }
0x3: {  	s10 =	simm.s32 $0x0;
	s4 =	sand.u32 $0x1, s1;
	s5 =	smul.u32 $0x4E20, s0  }
0x4: {  	s1 =	rddreg [dreg:$0x1];
	s7 =	sshrl.u32 s0, $0x2;
	s8 =	sshll.u32 s0, $0x8  }
0x5: {  	[smem:$0x7FF] =	sst s2;
	s6 =	smul.u32 $0x2710, s4;
	s9 =	sshll.u32 s4, $0x7  }
0x6: {  	s7 =	smul.u32 $0x14000, s7;
	_ =	strace $0x80000047;
	s4 =	ssub.s32 $0x2, s4  }
0x7: {  	s8 =	sor.u32 s9, s8;
	s31 =	sshrl.u32 s4, $0x1;
	s9 =	simm.s32 $0x400  }
0x8: {  	s8 =	sand.u32 $0x380, s8;
	s5 =	sadd.s32 s6, s5;
	s4 =	ssub.s32 s4, s31  }
0x9: {  	s30 =	sor.u32 s7, s8;
	s5 =	sadd.s32 $0x4E200, s5;
	s4 =	smax.u32 s4, $0x1  }
0xa: {  	s7 =	simm.s32 $0x200;
	s6 =	sshrl.u32 s30, $0x3;
	s5 =	sshrl.u32 s5, $0x3  }
0xb: {  	s8 =	simm.s32 $0x80;
	s6 =	sadd.s32 s6, s3;
	s5 =	sadd.s32 s5, s3  }
0xc: {  	v0 =	vimm.f32 $0.0e+00;
	v1 =	vimm.f32 $1.000000000e+00;
	s3 =	sadd.s32 $0x16000, s6;
	s5 =	sadd.s32 $0x2600, s5;
	s6 =	simm.s32 $0x1  }
.LBB2_1:
0xd: {  	s11 =	simm.s32 $0x0  }
.LBB2_2:
0xe: {  	p0 =	sne.s32 s11, $0x9FC0  }
.Ltmp0:
0xf: {  	_ = 	snop;
	(pc) =	sbr.rel @p0 .LBB2_2-.Ltmp0, $3  }
0x10: {  	_ =	sdelay $0x1  }
0x11: {  	s12 =	sshra.s32 s11, $0x2  }
0x12: {  	s11 =	sadd.s32 $0x40, s11;
	[tilespmem:s12+$0x200] =	vst v0  }
0x13: {  	s11 =	simm.s32 $0x0  }
.LBB2_4:
0x14: {  	s12 =	sadd.s32 s11, s5  }
0x15: {  	[tilespmem:s2], [sflag:$0x1] =	stream.linear.gather [hbm4b:s12+s2], $0x190, $0x38;
	[tilespmem:$0x2A00] =	vst v63  }
0x16: {  	_ =	swait.ge [sflag:s6], $0x190  }
0x17: {  	[sflag:s6] =	ssyncset.done $0x0  }
0x18: {  	[sflag:s6] =	ssyncadd.s32 $0xFFFFFE70  }
0x19: {  	v2 =	vld [tilespmem:$0x0];
	_ =	sdelay $0x7  }
0x1a: {  	[tilespmem:v2+s7+$0x0] =	vst.idx.add.f32.msk $0xffff, v1  }
0x1b: {  	v2 =	vld [tilespmem:$0x10];
	_ =	sdelay $0x7  }
0x1c: {  	[tilespmem:v2+s7+$0x0] =	vst.idx.add.f32.msk $0xffff, v1  }
0x1d: {  	v2 =	vld [tilespmem:$0x20];
	_ =	sdelay $0x7  }
0x1e: {  	[tilespmem:v2+s7+$0x0] =	vst.idx.add.f32.msk $0xffff, v1  }
0x1f: {  	v2 =	vld [tilespmem:$0x30];
	_ =	sdelay $0x7  }
0x20: {  	[tilespmem:v2+s7+$0x0] =	vst.idx.add.f32.msk $0xffff, v1  }
0x21: {  	v2 =	vld [tilespmem:$0x40];
	_ =	sdelay $0x7  }
0x22: {  	[tilespmem:v2+s7+$0x0] =	vst.idx.add.f32.msk $0xffff, v1  }
0x23: {  	v2 =	vld [tilespmem:$0x50];
	_ =	sdelay $0x7  }
0x24: {  	[tilespmem:v2+s7+$0x0] =	vst.idx.add.f32.msk $0xffff, v1  }
0x25: {  	v2 =	vld [tilespmem:$0x60];
	_ =	sdelay $0x7  }
0x26: {  	[tilespmem:v2+s7+$0x0] =	vst.idx.add.f32.msk $0xffff, v1  }
0x27: {  	v2 =	vld [tilespmem:$0x70];
	_ =	sdelay $0x7  }
0x28: {  	[tilespmem:v2+s7+$0x0] =	vst.idx.add.f32.msk $0xffff, v1  }
0x29: {  	v2 =	vld [tilespmem:$0x80];
	_ =	sdelay $0x7  }
0x2a: {  	[tilespmem:v2+s7+$0x0] =	vst.idx.add.f32.msk $0xffff, v1  }
0x2b: {  	v2 =	vld [tilespmem:$0x90];
	_ =	sdelay $0x7  }
0x2c: {  	[tilespmem:v2+s7+$0x0] =	vst.idx.add.f32.msk $0xffff, v1  }
0x2d: {  	v2 =	vld [tilespmem:$0xA0];
	_ =	sdelay $0x7  }
0x2e: {  	[tilespmem:v2+s7+$0x0] =	vst.idx.add.f32.msk $0xffff, v1  }
0x2f: {  	v2 =	vld [tilespmem:$0xB0];
	_ =	sdelay $0x7  }
0x30: {  	[tilespmem:v2+s7+$0x0] =	vst.idx.add.f32.msk $0xffff, v1  }
0x31: {  	v2 =	vld [tilespmem:$0xC0];
	_ =	sdelay $0x7  }
0x32: {  	[tilespmem:v2+s7+$0x0] =	vst.idx.add.f32.msk $0xffff, v1  }
0x33: {  	v2 =	vld [tilespmem:$0xD0];
	_ =	sdelay $0x7  }
0x34: {  	[tilespmem:v2+s7+$0x0] =	vst.idx.add.f32.msk $0xffff, v1  }
0x35: {  	v2 =	vld [tilespmem:$0xE0];
	_ =	sdelay $0x7  }
0x36: {  	[tilespmem:v2+s7+$0x0] =	vst.idx.add.f32.msk $0xffff, v1  }
0x37: {  	v2 =	vld [tilespmem:$0xF0];
	_ =	sdelay $0x7  }
0x38: {  	[tilespmem:v2+s7+$0x0] =	vst.idx.add.f32.msk $0xffff, v1  }
0x39: {  	v2 =	vld [tilespmem:$0x100];
	_ =	sdelay $0x7  }
0x3a: {  	[tilespmem:v2+s7+$0x0] =	vst.idx.add.f32.msk $0xffff, v1  }
0x3b: {  	v2 =	vld [tilespmem:$0x110];
	_ =	sdelay $0x7  }
0x3c: {  	[tilespmem:v2+s7+$0x0] =	vst.idx.add.f32.msk $0xffff, v1  }
0x3d: {  	v2 =	vld [tilespmem:$0x120];
	_ =	sdelay $0x7  }
0x3e: {  	[tilespmem:v2+s7+$0x0] =	vst.idx.add.f32.msk $0xffff, v1  }
0x3f: {  	v2 =	vld [tilespmem:$0x130];
	_ =	sdelay $0x7  }
0x40: {  	[tilespmem:v2+s7+$0x0] =	vst.idx.add.f32.msk $0xffff, v1  }
0x41: {  	v2 =	vld [tilespmem:$0x140];
	_ =	sdelay $0x7  }
0x42: {  	[tilespmem:v2+s7+$0x0] =	vst.idx.add.f32.msk $0xffff, v1  }
0x43: {  	v2 =	vld [tilespmem:$0x150];
	_ =	sdelay $0x7  }
0x44: {  	[tilespmem:v2+s7+$0x0] =	vst.idx.add.f32.msk $0xffff, v1  }
0x45: {  	v2 =	vld [tilespmem:$0x160];
	_ =	sdelay $0x7  }
0x46: {  	[tilespmem:v2+s7+$0x0] =	vst.idx.add.f32.msk $0xffff, v1  }
0x47: {  	v2 =	vld [tilespmem:$0x170];
	_ =	sdelay $0x7  }
0x48: {  	[tilespmem:v2+s7+$0x0] =	vst.idx.add.f32.msk $0xffff, v1  }
0x49: {  	v2 =	vld [tilespmem:$0x180];
	_ =	sdelay $0x2  }
0x4a: {  	p0 =	sne.s32 s11, $0x4B0  }
.Ltmp1:
0x4b: {  	_ = 	snop;
	(pc) =	sbr.rel @p0 .LBB2_4-.Ltmp1, $2  }
0x4c: {  	_ =	sdelay $0x2  }
0x4d: {  	s11 =	sadd.s32 $0x32, s11;
	[tilespmem:v2+s7+$0x0] =	vst.idx.add.f32.msk $0xffff, v1  }
0x4e: {  	s10 =	sadd.s32 $0x1, s10  }
0x4f: {  	p0 =	sne.s32 s10, s4  }
.Ltmp2:
0x50: {  	_ = 	snop;
	(pc) =	sbr.rel @p0 .LBB2_1-.Ltmp2, $4  }
0x51: {  	[hbm4b:s3+s8] =	stream.strided.scatter [tilespmem:s7], [sflag:$0x1], $0x2800, s9, s8, $0x38;
	[tilespmem:$0x2A00] =	vst v63  }
0x52: {  	_ =	swait.ge [sflag:s6], $0x2800  }
0x53: {  	[sflag:s6] =	ssyncset.done $0x0  }
0x54: {  	[sflag:s6] =	ssyncadd.s32 $0xFFFFD800  }
0x55: {  	_ =	sfence.sel $0x180000  }
0x56: {  	[bflag:$0x0] =	sbarrier.arrive $0xFFFF  }
0x57: {  	p0 =	sne.s32 s0, $0x0;
	_ =	strace $0x90000047  }
0x58: {  	s0 =	sadd.s32 @!p0 $0x100000, s1;
	[bflag:$0x2] =	sbarrier.arrive $0xFFFF  }
0x59: {  	[sflag:s0] =	ssyncadd.tile.s32 @!p0 $0x1;
	_ =	shalt  }
.Lfunc_end2:
_tile_overlayer_lowered:
.L_overlay_start_2:
0x5a: {  	(tag) =	ssettag $0x2  }
0x5b: {  	s0 =	rddreg [dreg:$0x0];
	s2 =	stileid.u32  }
0x5c: {  	s1 =	rddreg [dreg:$0x1];
	p0 =	sne.s32 s2, $0x0  }
0x5d: {  	s3 =	rddreg [dreg:$0x2];
	[bflag:$0x3] =	sbarrier.arrive $0xFFFF;
	s2 =	simm.s32 @!p0 $0x1C01  }
0x5e: {  	[timem:s3], [sflag:s2] =	dma.local @!p0 [hbm:s0], s1  }
0x5f: {  	s0 =	simm.s32 @!p0 $0x1  }
0x60: {  	_ =	swait.ge @!p0 [sflag:s0], s1  }
0x61: {  	s1 =	ssub.s32 @!p0 $0x0, s1;
	[sflag:s0] =	ssyncset.done @!p0 $0x0  }
0x62: {  	[sflag:s0] =	ssyncadd.s32 @!p0 s1  }
0x63: {  	[bflag:$0x3] =	sbarrier.arrive $0xFFFF  }
0x64: {  	_ =	shalt  }

// kernel: kernel.9.cloned.1.call-start
scs
__scs_entry_jumppad:
0x0: {  	(pc) =	sbr.rel $0x88, $3  }
0x1: {  	(tag) =	ssettag $0x0;
	lr =	simm.s32 $0x1  }
0x2: {  	[smem:$0x3F9A] =	sst lr;
	_ =	strace $0xD0000000  }
0x3: {  	_ = 	snop  }
0x4: {  	_ = 	snop  }
0x5: {  	_ = 	snop  }
0x6: {  	_ = 	snop  }
0x7: {  	_ = 	snop  }
__scs_overlays_trampoline_lowered:
0x8: {  	[smem:$0x3FA9] =	sst s0  }
0x9: {  	[smem:$0x3FAA] =	sst s1  }
0xa: {  	[smem:$0x3FAB] =	sst s2  }
0xb: {  	[smem:$0x3FAC] =	sst s3  }
0xc: {  	[smem:$0x3FAD] =	sst s4  }
0xd: {  	[smem:$0x3FAE] =	sst s5  }
0xe: {  	[smem:$0x3FAF] =	sst s6  }
0xf: {  	[smem:$0x3FB0] =	sst s7  }
0x10: {  	[smem:$0x3FB1] =	sst s8  }
0x11: {  	[smem:$0x3FB2] =	sst s9;
	s0 =	simm.s32 @!p0 $0x0  }
0x12: {  	s1 =	sld [smem:$0x3F98];
	s0 =	simm.s32 @p0 $0x1  }
0x13: {  	[smem:$0x3FB3] =	sst s0;
	s0 =	simm.s32 @!p1 $0x0  }
0x14: {  	s2 =	sld [smem:$0x3F97];
	s0 =	simm.s32 @p1 $0x1  }
0x15: {  	[smem:$0x3FB4] =	sst s0;
	s0 =	simm.s32 @!p2 $0x0  }
0x16: {  	s3 =	sld [smem:$0x3FDB];
	s0 =	simm.s32 @p2 $0x1  }
0x17: {  	s4 =	simm.s32 $0x1BF5;
	[smem:$0x3FB6] =	sst s0  }
0x18: {  	s0 =	sld [smem:$0x3F99];
	_ =	swait.ge [sflag:s4], $0x0  }
0x19: {  	s7 =	sld [smem:$0x3F9A]  }
0x1a: {  	s8 =	sadd.s32 $0xFFFFE003, lr  }
0x1b: {  	s9 =	sadd.s32 $0xFFFFFEF7, lr;
	s5 =	simm.s32 $0xFFFFFFFF;
	p2 =	slt.u32 s8, $0xFFFFF086  }
0x1c: {  	p1 =	slt.u32 s9, $0xF7A;
	s5 =	simm.s32 @!p2 $0x0  }
0x1d: {  	s5 =	simm.s32 @p1 $0x1;
	p0 =	seq.s32 s7, s2  }
0x1e: {  	s7 =	smul.u32 @!p0 $0xF7A, s2;
	p2 =	seq.s32 @!p0 s5, $0x0  }
0x1f: {  	s9 =	smul.u32 $0xF7A, s1;
	s8 =	simm.s32 @!p0 $0x1BF5;
	p2 =	por !p2, p0  }
0x20: {  	[sflag:s8] =	ssyncset.s32 @!p0 $0xFFFFF086;
	s6 =	sadd.s32 @!p0 s3, s7;
	s7 =	simm.s32 @!p0 $0x108  }
0x21: {  	s3 =	sadd.s32 s3, s9;
	s6 =	sadd.s32 @!p0 $0x88, s6;
	s7 =	simm.s32 @p2 $0x1082  }
0x22: {  	[simem:s7], [sflag:s8] =	dma.local @!p0 [hbm:s6], $0xF7A  }
0x23: {  	s9 =	sor.u32 $0xD0000000, s2;
	s6 =	simm.s32 $0x108;
	_ =	swait.ge @!p0 [sflag:s8], $0x0  }
0x24: {  	s3 =	sadd.s32 $0x88, s3;
	s6 =	simm.s32 @!p1 $0x1082;
	[sflag:s4] =	ssyncset.s32 $0xFFFFF086  }
0x25: {  	[simem:s6], [sflag:s4] =	dma.local [hbm:s3], $0xF7A  }
0x26: {  	[smem:$0x3F9A] =	sst s1;
	(tag) =	ssettag s2;
	_ =	strace s9  }
0x27: {  	s1 =	sld [smem:$0x3FAA]  }
0x28: {  	s2 =	sld [smem:$0x3FAB]  }
0x29: {  	s4 =	sld [smem:$0x3FAD]  }
0x2a: {  	p0 =	seq.s32 s5, $0x0;
	s5 =	sld [smem:$0x3FAE]  }
0x2b: {  	s6 =	sld [smem:$0x3FAF]  }
0x2c: {  	s7 =	sld [smem:$0x3FB0]  }
0x2d: {  	s3 =	simm.s32 $0x108;
	s8 =	sld [smem:$0x3FB1]  }
0x2e: {  	s3 =	simm.s32 @!p0 $0x1082;
	s9 =	sld [smem:$0x3FB2]  }
0x2f: {  	lr =	sadd.s32 s0, s3;
	s0 =	sld [smem:$0x3FA9]  }
0x30: {  	s3 =	sld [smem:$0x3FAC]  }
0x31: {  	[smem:$0x3FB5] =	sst s10  }
0x32: {  	s10 =	sld [smem:$0x3FB3];
	_ =	sdelay $0x3  }
0x33: {  	p0 =	seq.s32 s10, $0x1;
	s10 =	sld [smem:$0x3FB5];
	_ =	sdelay $0x3  }
0x34: {  	[smem:$0x3FB5] =	sst s10  }
0x35: {  	s10 =	sld [smem:$0x3FB4];
	_ =	sdelay $0x3  }
0x36: {  	p1 =	seq.s32 s10, $0x1;
	s10 =	sld [smem:$0x3FB5];
	_ =	sdelay $0x3  }
0x37: {  	[smem:$0x3FB5] =	sst s10  }
0x38: {  	s10 =	sld [smem:$0x3FB6]  }
0x39: {  	_ = 	snop;
	(pc) =	sbr.ind lr, $3  }
0x3a: {  	_ = 	snop  }
0x3b: {  	_ = 	snop  }
0x3c: {  	p2 =	seq.s32 s10, $0x1;
	s10 =	sld [smem:$0x3FB5]  }
0x3d: {  	_ =	shalt  }
0x3e: {  	_ =	shalt  }
0x3f: {  	_ =	shalt  }
0x40: {  	_ =	shalt  }
0x41: {  	_ =	shalt  }
0x42: {  	_ =	shalt  }
0x43: {  	_ =	shalt  }
0x44: {  	_ =	shalt  }
0x45: {  	_ =	shalt  }
0x46: {  	_ =	shalt  }
0x47: {  	_ =	shalt  }
0x48: {  	_ =	shalt  }
0x49: {  	_ =	shalt  }
0x4a: {  	_ =	shalt  }
0x4b: {  	_ =	shalt  }
0x4c: {  	_ =	shalt  }
0x4d: {  	_ =	shalt  }
0x4e: {  	_ =	shalt  }
0x4f: {  	_ =	shalt  }
0x50: {  	_ =	shalt  }
0x51: {  	_ =	shalt  }
0x52: {  	_ =	shalt  }
0x53: {  	_ =	shalt  }
0x54: {  	_ =	shalt  }
0x55: {  	_ =	shalt  }
0x56: {  	_ =	shalt  }
0x57: {  	_ =	shalt  }
0x58: {  	_ =	shalt  }
0x59: {  	_ =	shalt  }
0x5a: {  	_ =	shalt  }
0x5b: {  	_ =	shalt  }
0x5c: {  	_ =	shalt  }
0x5d: {  	_ =	shalt  }
0x5e: {  	_ =	shalt  }
0x5f: {  	_ =	shalt  }
0x60: {  	_ =	shalt  }
0x61: {  	_ =	shalt  }
0x62: {  	_ =	shalt  }
0x63: {  	_ =	shalt  }
0x64: {  	_ =	shalt  }
0x65: {  	_ =	shalt  }
0x66: {  	_ =	shalt  }
0x67: {  	_ =	shalt  }
0x68: {  	_ =	shalt  }
0x69: {  	_ =	shalt  }
0x6a: {  	_ =	shalt  }
0x6b: {  	_ =	shalt  }
0x6c: {  	_ =	shalt  }
0x6d: {  	_ =	shalt  }
0x6e: {  	_ =	shalt  }
0x6f: {  	_ =	shalt  }
0x70: {  	_ =	shalt  }
0x71: {  	_ =	shalt  }
0x72: {  	_ =	shalt  }
0x73: {  	_ =	shalt  }
0x74: {  	_ =	shalt  }
0x75: {  	_ =	shalt  }
0x76: {  	_ =	shalt  }
0x77: {  	_ =	shalt  }
0x78: {  	_ =	shalt  }
0x79: {  	_ =	shalt  }
0x7a: {  	_ =	shalt  }
0x7b: {  	_ =	shalt  }
0x7c: {  	_ =	shalt  }
0x7d: {  	_ =	shalt  }
0x7e: {  	_ =	shalt  }
0x7f: {  	_ =	shalt  }
0x80: {  	_ =	shalt  }
0x81: {  	_ =	shalt  }
0x82: {  	_ =	shalt  }
0x83: {  	_ =	shalt  }
0x84: {  	_ =	shalt  }
0x85: {  	_ =	shalt  }
0x86: {  	_ =	shalt  }
0x87: {  	_ =	shalt  }
.Lfunc_end0:
.L_simem_size_0:
called_computation.1_lowered:
.L_overlay_start_0:
0x88: {  	s2 =	sld [smem:$0x3FD9]  }
0x89: {  	s3 =	sld [smem:$0x3FFE];
	_ =	sdelay $0x1  }
0x8a: {  	s1 =	srdreg.scid  }
0x8b: {  	s0 =	sand.u32 $0x1, s1  }
0x8c: {  	s16 =	sshll.u32 s0, $0xA;
	s2 =	sadd.s32 s3, s2  }
0x8d: {  	s2 =	sadd.s32 s2, s16  }
0x8e: {  	[smem:$0x3FC1] =	sst s2  }
0x8f: {  	_ = 	snop  }
0x90: {  	(tm) =	ssettm $0x1  }
0x91: {  	s17 =	sld [smem:$0x3FFB];
	_ =	sdelay $0x3  }
0x92: {  	_ =	strace s17  }
0x93: {  	s2 =	sld [smem:$0x3FFC];
	_ =	sdelay $0x3  }
0x94: {  	_ =	strace s2  }
0x95: {  	s2 =	sld [smem:$0x3FFD];
	_ =	sdelay $0x3  }
0x96: {  	_ =	strace s2  }
0x97: {  	_ =	strace $0x8FFFFFFF  }
0x98: {  	s18 =	sld [smem:$0x3FDB];
	_ =	sdelay $0x1  }
0x99: {  	s19 =	simm.s32 $_scs_section_size  }
0x9a: {  	s4 =	simm.s32 $_size__tile_overlayer_lowered;
	s5 =	simm.s32 $_tile_overlayer_lowered  }
0x9b: {  	s22 =	simm.s32 $0x1BFF;
	s21 =	sshll.u32 s5, $0x1;
	s2 =	sadd.s32 s19, s18  }
0x9c: {  	s6 =	simm.s32 $0x0;
	s20 =	sshll.u32 s4, $0x1;
	s4 =	sadd.s32 s21, s2  }
0x9d: {  	[timem:s6], [sflag:s22] =	dma.local [hbm:s4], s20  }
0x9e: {  	_ =	swait.ge [sflag:s22], s20  }
0x9f: {  	s3 =	ssub.s32 $0x0, s20;
	[sflag:s22] =	ssyncset.done $0x0  }
0xa0: {  	[sflag:s22] =	ssyncadd.s32 s3;
	_ =	sdelay $0x1  }
0xa1: {  	s23 =	simm.s32 $0x1B8B  }
0xa2: {  	_ =	swait.ge [sflag:s23], $0x1  }
0xa3: {  	[sflag:s23] =	ssyncset.done $0x0  }
0xa4: {  	s25 =	simm.s32 $0x1B8E;
	s24 =	sld [smem:$0x3FFE];
	[sflag:s23] =	ssyncadd.s32 $0xFFFFFFFF  }
0xa5: {  	s26 =	simm.s32 $execute0_lowered;
	[smem:$0x3FD2] =	sst s25  }
0xa6: {  	s4 =	sshll.u32 s26, $0x1;
	_ =	strace $0x80000049;
	[dreg:$0x1] =	wrdreg $0xFFFFFFFF  }
0xa7: {  	s28 =	simm.s32 $_size_execute0_lowered;
	s2 =	sadd.s32 s2, s4;
	[dreg:$0x0] =	wrdreg $0x0  }
0xa8: {  	s4 =	sshll.u32 s28, $0x1;
	[dreg:$0x2] =	wrdreg s2  }
0xa9: {  	[dreg:$0x3] =	wrdreg s4  }
0xaa: {  	[dreg:$0x4] =	wrdreg $0xC0  }
0xab: {  	_ =	task [dreg:s6], $0x5FFFF  }
0xac: {  	[dreg:$0x1] =	wrdreg $0xFFFFFFFF  }
0xad: {  	[dreg:$0x0] =	wrdreg $0x60  }
0xae: {  	[dreg:$0x2] =	wrdreg s24  }
0xaf: {  	[dreg:$0x3] =	wrdreg $0x90000  }
0xb0: {  	[dreg:$0x4] =	wrdreg $0x9  }
0xb1: {  	_ =	task.clear_ibuf [dreg:s6], $0x5FFFF;
	_ =	strace $0x90000049  }
0xb2: {  	s29 =	simm.s32 $0x9;
	_ =	strace $0x8000004B  }
0xb3: {  	_ =	swait.ge [sflag:s29], $0x1  }
0xb4: {  	[sflag:s29] =	ssyncadd.s32 $0xFFFFFFFF  }
0xb5: {  	_ =	strace $0x9000004B  }
0xb6: {  	_ =	sfence  }
0xb7: {  	s30 =	sld [smem:$0x0];
	_ =	sdelay $0x2  }
0xb8: {  	s31 =	sshll.u32 s1, $0xD;
	s1 =	sshrl.u32 s1, $0x2  }
0xb9: {  	s3 =	sand.u32 $0x4000, s31;
	s1 =	sadd.s32 s1, s30  }
0xba: {  	s0 =	sor.u32 s3, s0;
	s1 =	sshll.u32 s1, $0x11  }
0xbb: {  	s0 =	sor.u32 s1, s0  }
0xbc: {  	s0 =	sadd.s32 $0x8F2B, s0  }
0xbd: {  	[sflag:s0] =	ssyncadd.remote.s32 $0x1  }
0xbe: {  	_ =	sfence.sel $0xFFFF  }
0xbf: {  	[dreg:$0x0] =	wrdreg $0xFFFFFFFF;
	(pc) =	sbr.abs _section_cstart, $3  }
0xc0: {  	[dreg:$0x1] =	wrdreg $0xFFFFFFFF  }
0xc1: {  	_ =	task.clear_ibuf [dreg:s6], $0x2FFFF;
	_ =	strace $0x9FFFFFFF  }
0xc2: {  	(tm) =	ssettm $0x7FFFFFFF  }
0xc3: {  	_ =	shalt  }
tec
execute0_lowered:
.L_overlay_start_1:
0x0: {  	(tag) =	ssettag $0x1  }
0x1: {  	s0 =	srdreg.scid;
	s5 =	rddreg [dreg:$0x0]  }
0x2: {  	s9 =	stileid.u32;
	s2 =	rddreg [dreg:$0x1];
	s3 =	simm.s32 $0x0  }
0x3: {  	s24 =	simm.s32 $0x80;
	s25 =	simm.s32 $0x100;
	s10 =	simm.s32 $0x900  }
0x4: {  	s11 =	simm.s32 $0x980;
	s12 =	simm.s32 $0x200;
	s13 =	simm.s32 $0x280  }
0x5: {  	s4 =	smul.u32 $0x5000, s9;
	[smem:$0x7FF] =	sst s3;
	s20 =	sadd.s32 $0x2600, s5  }
0x6: {  	s7 =	smul.u32 $0x14000, s9;
	_ =	strace $0x8000004A;
	[dreg:$0x1a] =	wrdreg s20  }
0x7: {  	s14 =	simm.s32 $0x300;
	s22 =	smul.u32 $0x50000, s9;
	[dreg:$0x5] =	wrdreg s24  }
0x8: {  	s26 =	sshll.u32 s9, $0x6;
	s9 =	simm.s32 $0x880;
	[dreg:$0x6] =	wrdreg s25  }
0x9: {  	s15 =	simm.s32 $0x380;
	s16 =	simm.s32 $0xA00;
	[dreg:$0x8] =	wrdreg s9  }
0xa: {  	s17 =	simm.s32 $0xA80;
	s18 =	simm.s32 $0xB00;
	[dreg:$0x9] =	wrdreg s10  }
0xb: {  	s19 =	simm.s32 $0xB80;
	s28 =	simm.s32 $0x680;
	[dreg:$0xa] =	wrdreg s11  }
0xc: {  	s29 =	simm.s32 $0x700;
	s0 =	sand.u32 $0x1, s0;
	[dreg:$0xb] =	wrdreg s12  }
0xd: {  	s30 =	simm.s32 $0x780;
	s1 =	smul.u32 $0x50000, s0;
	[dreg:$0xc] =	wrdreg s13  }
0xe: {  	s31 =	simm.s32 $0xE00;
	s6 =	smul.u32 $0x140000, s0;
	[dreg:$0xd] =	wrdreg s14  }
0xf: {  	s0 =	ssub.s32 $0x2, s0;
	s10 =	simm.s32 $0x9;
	[dreg:$0xe] =	wrdreg s15  }
0x10: {  	s11 =	simm.s32 $0x800;
	s12 =	simm.s32 $0x40;
	[dreg:$0xf] =	wrdreg s16  }
0x11: {  	s13 =	simm.s32 $0x1000;
	s14 =	simm.s32 $0x3000;
	[dreg:$0x10] =	wrdreg s17  }
0x12: {  	s15 =	simm.s32 $0x5000;
	s16 =	simm.s32 $0x7000;
	[dreg:$0x11] =	wrdreg s18  }
0x13: {  	s17 =	simm.s32 $0x1;
	[dreg:$0x12] =	wrdreg s19;
	s20 =	simm.s32 $0x400  }
0x14: {  	s18 =	simm.s32 $0x2;
	s19 =	simm.s32 $0x3;
	s24 =	simm.s32 $0xC00  }
0x15: {  	s25 =	simm.s32 $0xC80;
	s9 =	simm.s32 $0x0;
	[dreg:$0x13] =	wrdreg s20  }
0x16: {  	s21 =	sshrl.u32 s0, $0x1;
	s23 =	sshrl.u32 s22, $0x2;
	[dreg:$0x17] =	wrdreg s24  }
0x17: {  	s22 =	simm.s32 $0x500;
	s20 =	simm.s32 $0x4;
	[dreg:$0x18] =	wrdreg s25  }
0x18: {  	s24 =	simm.s32 $0x8;
	s25 =	simm.s32 $0xD80;
	s1 =	sadd.s32 s4, s1  }
0x19: {  	s6 =	sadd.s32 s7, s6;
	s4 =	sadd.s32 $0x48000, s5;
	s0 =	ssub.s32 s0, s21  }
0x1a: {  	s7 =	sor.u32 $0x1C09, s26;
	s21 =	simm.s32 $0x480;
	[dreg:$0x15] =	wrdreg s22  }
0x1b: {  	s26 =	simm.s32 $0xD00;
	s1 =	sshrl.u32 s1, $0x3;
	[dreg:$0x14] =	wrdreg s21  }
0x1c: {  	s6 =	sshrl.u32 s6, $0x3;
	s0 =	smax.u32 s0, $0x1;
	[dreg:$0x19] =	wrdreg s26  }
0x1d: {  	[dreg:$0x1b] =	wrdreg s7;
	s1 =	sadd.s32 s1, s5;
	s5 =	sadd.s32 s6, s5  }
0x1e: {  	s6 =	sadd.s32 s23, s2;
	[dreg:$0x1d] =	wrdreg s0;
	s23 =	simm.s32 $0x580  }
0x1f: {  	s22 =	simm.s32 $0x6;
	s8 =	sadd.s32 $0x34000, s1;
	[dreg:$0x16] =	wrdreg s23  }
0x20: {  	s21 =	simm.s32 $0x5;
	s1 =	sadd.s32 $0x20000, s1;
	[dreg:$0x3] =	wrdreg s8  }
0x21: {  	s26 =	simm.s32 $0x600;
	s5 =	sadd.s32 $0x70000, s5;
	[dreg:$0x4] =	wrdreg s1  }
0x22: {  	s0 =	simm.s32 $0xF00;
	s8 =	simm.s32 $0x180;
	[dreg:$0x1c] =	wrdreg s5  }
0x23: {  	s23 =	simm.s32 $0x7;
	[dreg:$0x7] =	wrdreg s8;
	s8 =	sshrl.u32 s6, $0x3  }
0x24: {  	s1 =	simm.s32 $0xE80;
	s5 =	simm.s32 $0xF80;
	[dreg:$0x1e] =	wrdreg s8  }
.LBB2_1:
0x25: {  	[dreg:$0x1f] =	wrdreg s9  }
0x26: {  	s6 =	rddreg [dreg:$0x1a]  }
0x27: {  	[spmem:s8], [sflag:s7] =	dma.local [hbm:s6], $0x2800  }
0x28: {  	_ =	swait.ge [sflag:s10], $0x2800  }
0x29: {  	[sflag:s10] =	ssyncset.done $0x0  }
0x2a: {  	[sflag:s10] =	ssyncadd.s32 $0xFFFFD800  }
0x2b: {  	[bflag:$0x0] =	sbarrier.arrive $0xFFFF  }
0x2c: {  	s7 =	rddreg [dreg:$0x4]  }
0x2d: {  	s6 =	sadd.s32 $0x0, s7  }
0x2e: {  	[tilespmem:s3], [sflag:$0x9] =	stream.linear.gather [hbm4b:s6+s3], $0x800, $0x38;
	[tilespmem:$0x1D000] =	vst v63  }
0x2f: {  	_ =	swait.ge [sflag:s10], $0x800  }
0x30: {  	s8 =	rddreg [dreg:$0x3];
	[sflag:s10] =	ssyncset.done $0x0  }
0x31: {  	[sflag:s10] =	ssyncadd.s32 $0xFFFFF800;
	s6 =	sadd.s32 $0x0, s8  }
0x32: {  	[tilespmem:s11], [sflag:$0x9] =	stream.linear.gather [hbm4b:s6+s3], $0x800, $0x38;
	[tilespmem:$0x1D000] =	vst v63  }
0x33: {  	_ =	swait.ge [sflag:s10], $0x800  }
0x34: {  	[sflag:s10] =	ssyncset.done $0x0  }
0x35: {  	[sflag:s10] =	ssyncadd.s32 $0xFFFFF800  }
0x36: {  	[tilespmem:s13], [sflag:$0x1] =	stream.indirect.gather [hbm4b:s4+s12], $0x80, s3, s12, $0xb8;
	[tilespmem:$0x1D000] =	vst v63  }
0x37: {  	s9 =	rddreg [dreg:$0x5]  }
0x38: {  	[tilespmem:s14], [sflag:$0x2] =	stream.indirect.gather [hbm4b:s4+s12], $0x80, s9, s12, $0xb8;
	[tilespmem:$0x1D000] =	vst v63  }
0x39: {  	s7 =	rddreg [dreg:$0x6]  }
0x3a: {  	[tilespmem:s15], [sflag:$0x3] =	stream.indirect.gather [hbm4b:s4+s12], $0x80, s7, s12, $0xb8;
	[tilespmem:$0x1D000] =	vst v63  }
0x3b: {  	s9 =	rddreg [dreg:$0x7]  }
0x3c: {  	[tilespmem:s16], [sflag:$0x4] =	stream.indirect.gather [hbm4b:s4+s12], $0x80, s9, s12, $0xb8;
	[tilespmem:$0x1D000] =	vst v63  }
0x3d: {  	_ =	swait.ge [sflag:s17], $0x2000  }
0x3e: {  	[sflag:s17] =	ssyncset.done $0x0  }
0x3f: {  	[sflag:s17] =	ssyncadd.s32 $0xFFFFE000  }
0x40: {  	[spmem:s2] =	stream.indirect.scatter.add.f32 [tilespmem:s13], [sflag:$0x5], $0x80, s11, s12, $0xb8;
	[tilespmem:$0x1D000] =	vst v63  }
0x41: {  	_ =	swait.ge [sflag:s18], $0x2000  }
0x42: {  	[sflag:s18] =	ssyncset.done $0x0  }
0x43: {  	s7 =	rddreg [dreg:$0x8];
	[sflag:s18] =	ssyncadd.s32 $0xFFFFE000  }
0x44: {  	[spmem:s2] =	stream.indirect.scatter.add.f32 [tilespmem:s14], [sflag:$0x6], $0x80, s7, s12, $0xb8;
	[tilespmem:$0x1D000] =	vst v63  }
0x45: {  	_ =	swait.ge [sflag:s19], $0x2000  }
0x46: {  	[sflag:s19] =	ssyncset.done $0x0  }
0x47: {  	s8 =	rddreg [dreg:$0x9];
	[sflag:s19] =	ssyncadd.s32 $0xFFFFE000  }
0x48: {  	[spmem:s2] =	stream.indirect.scatter.add.f32 [tilespmem:s15], [sflag:$0x7], $0x80, s8, s12, $0xb8;
	[tilespmem:$0x1D000] =	vst v63  }
0x49: {  	_ =	swait.ge [sflag:s20], $0x2000  }
0x4a: {  	[sflag:s20] =	ssyncset.done $0x0  }
0x4b: {  	s9 =	rddreg [dreg:$0xa];
	[sflag:s20] =	ssyncadd.s32 $0xFFFFE000  }
0x4c: {  	[spmem:s2] =	stream.indirect.scatter.add.f32 [tilespmem:s16], [sflag:$0x8], $0x80, s9, s12, $0xb8;
	[tilespmem:$0x1D000] =	vst v63  }
0x4d: {  	_ =	swait.ge [sflag:s21], $0x2000  }
0x4e: {  	[sflag:s21] =	ssyncset.done $0x0  }
0x4f: {  	s7 =	rddreg [dreg:$0xb];
	[sflag:s21] =	ssyncadd.s32 $0xFFFFE000  }
0x50: {  	[tilespmem:s13], [sflag:$0x1] =	stream.indirect.gather [hbm4b:s4+s12], $0x80, s7, s12, $0xb8;
	[tilespmem:$0x1D000] =	vst v63  }
0x51: {  	_ =	swait.ge [sflag:s22], $0x2000  }
0x52: {  	[sflag:s22] =	ssyncset.done $0x0  }
0x53: {  	s8 =	rddreg [dreg:$0xc];
	[sflag:s22] =	ssyncadd.s32 $0xFFFFE000  }
0x54: {  	[tilespmem:s14], [sflag:$0x2] =	stream.indirect.gather [hbm4b:s4+s12], $0x80, s8, s12, $0xb8;
	[tilespmem:$0x1D000] =	vst v63  }
0x55: {  	_ =	swait.ge [sflag:s23], $0x2000  }
0x56: {  	[sflag:s23] =	ssyncset.done $0x0  }
0x57: {  	s9 =	rddreg [dreg:$0xd];
	[sflag:s23] =	ssyncadd.s32 $0xFFFFE000  }
0x58: {  	[tilespmem:s15], [sflag:$0x3] =	stream.indirect.gather [hbm4b:s4+s12], $0x80, s9, s12, $0xb8;
	[tilespmem:$0x1D000] =	vst v63  }
0x59: {  	_ =	swait.ge [sflag:s24], $0x2000  }
0x5a: {  	[sflag:s24] =	ssyncset.done $0x0  }
0x5b: {  	s7 =	rddreg [dreg:$0xe];
	[sflag:s24] =	ssyncadd.s32 $0xFFFFE000  }
0x5c: {  	[tilespmem:s16], [sflag:$0x4] =	stream.indirect.gather [hbm4b:s4+s12], $0x80, s7, s12, $0xb8;
	[tilespmem:$0x1D000] =	vst v63  }
0x5d: {  	_ =	swait.ge [sflag:s17], $0x2000  }
0x5e: {  	[sflag:s17] =	ssyncset.done $0x0  }
0x5f: {  	s8 =	rddreg [dreg:$0xf];
	[sflag:s17] =	ssyncadd.s32 $0xFFFFE000  }
0x60: {  	[spmem:s2] =	stream.indirect.scatter.add.f32 [tilespmem:s13], [sflag:$0x5], $0x80, s8, s12, $0xb8;
	[tilespmem:$0x1D000] =	vst v63  }
0x61: {  	_ =	swait.ge [sflag:s18], $0x2000  }
0x62: {  	[sflag:s18] =	ssyncset.done $0x0  }
0x63: {  	s9 =	rddreg [dreg:$0x10];
	[sflag:s18] =	ssyncadd.s32 $0xFFFFE000  }
0x64: {  	[spmem:s2] =	stream.indirect.scatter.add.f32 [tilespmem:s14], [sflag:$0x6], $0x80, s9, s12, $0xb8;
	[tilespmem:$0x1D000] =	vst v63  }
0x65: {  	_ =	swait.ge [sflag:s19], $0x2000  }
0x66: {  	[sflag:s19] =	ssyncset.done $0x0  }
0x67: {  	s7 =	rddreg [dreg:$0x11];
	[sflag:s19] =	ssyncadd.s32 $0xFFFFE000  }
0x68: {  	[spmem:s2] =	stream.indirect.scatter.add.f32 [tilespmem:s15], [sflag:$0x7], $0x80, s7, s12, $0xb8;
	[tilespmem:$0x1D000] =	vst v63  }
0x69: {  	_ =	swait.ge [sflag:s20], $0x2000  }
0x6a: {  	[sflag:s20] =	ssyncset.done $0x0  }
0x6b: {  	s8 =	rddreg [dreg:$0x12];
	[sflag:s20] =	ssyncadd.s32 $0xFFFFE000  }
0x6c: {  	[spmem:s2] =	stream.indirect.scatter.add.f32 [tilespmem:s16], [sflag:$0x8], $0x80, s8, s12, $0xb8;
	[tilespmem:$0x1D000] =	vst v63  }
0x6d: {  	_ =	swait.ge [sflag:s21], $0x2000  }
0x6e: {  	[sflag:s21] =	ssyncset.done $0x0  }
0x6f: {  	s9 =	rddreg [dreg:$0x13];
	[sflag:s21] =	ssyncadd.s32 $0xFFFFE000  }
0x70: {  	[tilespmem:s13], [sflag:$0x1] =	stream.indirect.gather [hbm4b:s4+s12], $0x80, s9, s12, $0xb8;
	[tilespmem:$0x1D000] =	vst v63  }
0x71: {  	_ =	swait.ge [sflag:s22], $0x2000  }
0x72: {  	[sflag:s22] =	ssyncset.done $0x0  }
0x73: {  	s7 =	rddreg [dreg:$0x14];
	[sflag:s22] =	ssyncadd.s32 $0xFFFFE000  }
0x74: {  	[tilespmem:s14], [sflag:$0x2] =	stream.indirect.gather [hbm4b:s4+s12], $0x80, s7, s12, $0xb8;
	[tilespmem:$0x1D000] =	vst v63  }
0x75: {  	_ =	swait.ge [sflag:s23], $0x2000  }
0x76: {  	[sflag:s23] =	ssyncset.done $0x0  }
0x77: {  	s8 =	rddreg [dreg:$0x15];
	[sflag:s23] =	ssyncadd.s32 $0xFFFFE000  }
0x78: {  	[tilespmem:s15], [sflag:$0x3] =	stream.indirect.gather [hbm4b:s4+s12], $0x80, s8, s12, $0xb8;
	[tilespmem:$0x1D000] =	vst v63  }
0x79: {  	_ =	swait.ge [sflag:s24], $0x2000  }
0x7a: {  	[sflag:s24] =	ssyncset.done $0x0  }
0x7b: {  	s9 =	rddreg [dreg:$0x16];
	[sflag:s24] =	ssyncadd.s32 $0xFFFFE000  }
0x7c: {  	[tilespmem:s16], [sflag:$0x4] =	stream.indirect.gather [hbm4b:s4+s12], $0x80, s9, s12, $0xb8;
	[tilespmem:$0x1D000] =	vst v63  }
0x7d: {  	_ =	swait.ge [sflag:s17], $0x2000  }
0x7e: {  	[sflag:s17] =	ssyncset.done $0x0  }
0x7f: {  	s7 =	rddreg [dreg:$0x17];
	[sflag:s17] =	ssyncadd.s32 $0xFFFFE000  }
0x80: {  	[spmem:s2] =	stream.indirect.scatter.add.f32 [tilespmem:s13], [sflag:$0x5], $0x80, s7, s12, $0xb8;
	[tilespmem:$0x1D000] =	vst v63  }
0x81: {  	_ =	swait.ge [sflag:s18], $0x2000  }
0x82: {  	[sflag:s18] =	ssyncset.done $0x0  }
0x83: {  	s8 =	rddreg [dreg:$0x18];
	[sflag:s18] =	ssyncadd.s32 $0xFFFFE000  }
0x84: {  	[spmem:s2] =	stream.indirect.scatter.add.f32 [tilespmem:s14], [sflag:$0x6], $0x80, s8, s12, $0xb8;
	[tilespmem:$0x1D000] =	vst v63  }
0x85: {  	_ =	swait.ge [sflag:s19], $0x2000  }
0x86: {  	[sflag:s19] =	ssyncset.done $0x0  }
0x87: {  	s9 =	rddreg [dreg:$0x19];
	[sflag:s19] =	ssyncadd.s32 $0xFFFFE000  }
0x88: {  	[spmem:s2] =	stream.indirect.scatter.add.f32 [tilespmem:s15], [sflag:$0x7], $0x80, s9, s12, $0xb8;
	[tilespmem:$0x1D000] =	vst v63  }
0x89: {  	_ =	swait.ge [sflag:s20], $0x2000  }
0x8a: {  	[sflag:s20] =	ssyncset.done $0x0  }
0x8b: {  	[sflag:s20] =	ssyncadd.s32 $0xFFFFE000  }
0x8c: {  	[spmem:s2] =	stream.indirect.scatter.add.f32 [tilespmem:s16], [sflag:$0x8], $0x80, s25, s12, $0xb8;
	[tilespmem:$0x1D000] =	vst v63  }
0x8d: {  	_ =	swait.ge [sflag:s21], $0x2000  }
0x8e: {  	[sflag:s21] =	ssyncset.done $0x0  }
0x8f: {  	[sflag:s21] =	ssyncadd.s32 $0xFFFFE000  }
0x90: {  	[tilespmem:s13], [sflag:$0x1] =	stream.indirect.gather [hbm4b:s4+s12], $0x80, s26, s12, $0xb8;
	[tilespmem:$0x1D000] =	vst v63  }
0x91: {  	_ =	swait.ge [sflag:s22], $0x2000  }
0x92: {  	[sflag:s22] =	ssyncset.done $0x0  }
0x93: {  	[sflag:s22] =	ssyncadd.s32 $0xFFFFE000  }
0x94: {  	[tilespmem:s14], [sflag:$0x2] =	stream.indirect.gather [hbm4b:s4+s12], $0x80, s28, s12, $0xb8;
	[tilespmem:$0x1D000] =	vst v63  }
0x95: {  	_ =	swait.ge [sflag:s23], $0x2000  }
0x96: {  	[sflag:s23] =	ssyncset.done $0x0  }
0x97: {  	[sflag:s23] =	ssyncadd.s32 $0xFFFFE000  }
0x98: {  	[tilespmem:s15], [sflag:$0x3] =	stream.indirect.gather [hbm4b:s4+s12], $0x80, s29, s12, $0xb8;
	[tilespmem:$0x1D000] =	vst v63  }
0x99: {  	_ =	swait.ge [sflag:s24], $0x2000  }
0x9a: {  	[sflag:s24] =	ssyncset.done $0x0  }
0x9b: {  	[sflag:s24] =	ssyncadd.s32 $0xFFFFE000  }
0x9c: {  	[tilespmem:s16], [sflag:$0x4] =	stream.indirect.gather [hbm4b:s4+s12], $0x80, s30, s12, $0xb8;
	[tilespmem:$0x1D000] =	vst v63  }
0x9d: {  	_ =	swait.ge [sflag:s17], $0x2000  }
0x9e: {  	[sflag:s17] =	ssyncset.done $0x0  }
0x9f: {  	[sflag:s17] =	ssyncadd.s32 $0xFFFFE000  }
0xa0: {  	[spmem:s2] =	stream.indirect.scatter.add.f32 [tilespmem:s13], [sflag:$0x5], $0x80, s31, s12, $0xb8;
	[tilespmem:$0x1D000] =	vst v63  }
0xa1: {  	_ =	swait.ge [sflag:s18], $0x2000  }
0xa2: {  	[sflag:s18] =	ssyncset.done $0x0  }
0xa3: {  	[sflag:s18] =	ssyncadd.s32 $0xFFFFE000  }
0xa4: {  	[spmem:s2] =	stream.indirect.scatter.add.f32 [tilespmem:s14], [sflag:$0x6], $0x80, s1, s12, $0xb8;
	[tilespmem:$0x1D000] =	vst v63  }
0xa5: {  	_ =	swait.ge [sflag:s19], $0x2000  }
0xa6: {  	[sflag:s19] =	ssyncset.done $0x0  }
0xa7: {  	[sflag:s19] =	ssyncadd.s32 $0xFFFFE000  }
0xa8: {  	[spmem:s2] =	stream.indirect.scatter.add.f32 [tilespmem:s15], [sflag:$0x7], $0x80, s0, s12, $0xb8;
	[tilespmem:$0x1D000] =	vst v63  }
0xa9: {  	_ =	swait.ge [sflag:s20], $0x2000  }
0xaa: {  	[sflag:s20] =	ssyncset.done $0x0  }
0xab: {  	[sflag:s20] =	ssyncadd.s32 $0xFFFFE000  }
0xac: {  	[spmem:s2] =	stream.indirect.scatter.add.f32 [tilespmem:s16], [sflag:$0x8], $0x80, s5, s12, $0xb8;
	[tilespmem:$0x1D000] =	vst v63  }
0xad: {  	_ =	swait.ge [sflag:s21], $0x2000  }
0xae: {  	[sflag:s21] =	ssyncset.done $0x0  }
0xaf: {  	[sflag:s21] =	ssyncadd.s32 $0xFFFFE000  }
0xb0: {  	_ =	swait.ge [sflag:s22], $0x2000  }
0xb1: {  	[sflag:s22] =	ssyncset.done $0x0  }
0xb2: {  	[sflag:s22] =	ssyncadd.s32 $0xFFFFE000  }
0xb3: {  	_ =	swait.ge [sflag:s23], $0x2000  }
0xb4: {  	[sflag:s23] =	ssyncset.done $0x0  }
0xb5: {  	[sflag:s23] =	ssyncadd.s32 $0xFFFFE000  }
0xb6: {  	s6 =	simm.s32 $0x200;
	_ =	swait.ge [sflag:s24], $0x2000  }
0xb7: {  	s8 =	simm.s32 $0x100;
	s9 =	rddreg [dreg:$0x4];
	[sflag:s24] =	ssyncset.done $0x0  }
.LBB2_2:
0xb8: {  	[sflag:s24] =	ssyncadd.s32 $0xFFFFE000;
	s9 =	sadd.s32 s8, s9  }
0xb9: {  	[tilespmem:s3], [sflag:$0x9] =	stream.linear.gather [hbm4b:s9+s3], $0x800, $0x38;
	[tilespmem:$0x1D000] =	vst v63  }
0xba: {  	_ =	swait.ge [sflag:s10], $0x800  }
0xbb: {  	s9 =	rddreg [dreg:$0x3];
	[sflag:s10] =	ssyncset.done $0x0  }
0xbc: {  	[sflag:s10] =	ssyncadd.s32 $0xFFFFF800;
	s9 =	sadd.s32 s8, s9  }
0xbd: {  	[tilespmem:s11], [sflag:$0x9] =	stream.linear.gather [hbm4b:s9+s3], $0x800, $0x38;
	[tilespmem:$0x1D000] =	vst v63  }
0xbe: {  	_ =	swait.ge [sflag:s10], $0x800  }
0xbf: {  	[sflag:s10] =	ssyncset.done $0x0  }
0xc0: {  	s7 =	smov.u32 s6;
	[sflag:s10] =	ssyncadd.s32 $0xFFFFF800  }
0xc1: {  	[tilespmem:s13], [sflag:$0x1] =	stream.indirect.gather [hbm4b:s4+s12], $0x80, s3, s12, $0xb8;
	[tilespmem:$0x1D000] =	vst v63  }
0xc2: {  	s8 =	smov.u32 s7;
	s7 =	rddreg [dreg:$0x5]  }
0xc3: {  	[tilespmem:s14], [sflag:$0x2] =	stream.indirect.gather [hbm4b:s4+s12], $0x80, s7, s12, $0xb8;
	[tilespmem:$0x1D000] =	vst v63  }
0xc4: {  	s9 =	rddreg [dreg:$0x6]  }
0xc5: {  	[tilespmem:s15], [sflag:$0x3] =	stream.indirect.gather [hbm4b:s4+s12], $0x80, s9, s12, $0xb8;
	[tilespmem:$0x1D000] =	vst v63  }
0xc6: {  	s7 =	rddreg [dreg:$0x7]  }
0xc7: {  	[tilespmem:s16], [sflag:$0x4] =	stream.indirect.gather [hbm4b:s4+s12], $0x80, s7, s12, $0xb8;
	[tilespmem:$0x1D000] =	vst v63  }
0xc8: {  	_ =	swait.ge [sflag:s17], $0x2000  }
0xc9: {  	[sflag:s17] =	ssyncset.done $0x0  }
0xca: {  	[sflag:s17] =	ssyncadd.s32 $0xFFFFE000  }
0xcb: {  	[spmem:s2] =	stream.indirect.scatter.add.f32 [tilespmem:s13], [sflag:$0x5], $0x80, s11, s12, $0xb8;
	[tilespmem:$0x1D000] =	vst v63  }
0xcc: {  	_ =	swait.ge [sflag:s18], $0x2000  }
0xcd: {  	[sflag:s18] =	ssyncset.done $0x0  }
0xce: {  	s9 =	rddreg [dreg:$0x8];
	[sflag:s18] =	ssyncadd.s32 $0xFFFFE000  }
0xcf: {  	[spmem:s2] =	stream.indirect.scatter.add.f32 [tilespmem:s14], [sflag:$0x6], $0x80, s9, s12, $0xb8;
	[tilespmem:$0x1D000] =	vst v63  }
0xd0: {  	_ =	swait.ge [sflag:s19], $0x2000  }
0xd1: {  	[sflag:s19] =	ssyncset.done $0x0  }
0xd2: {  	s9 =	rddreg [dreg:$0x9];
	[sflag:s19] =	ssyncadd.s32 $0xFFFFE000  }
0xd3: {  	[spmem:s2] =	stream.indirect.scatter.add.f32 [tilespmem:s15], [sflag:$0x7], $0x80, s9, s12, $0xb8;
	[tilespmem:$0x1D000] =	vst v63  }
0xd4: {  	_ =	swait.ge [sflag:s20], $0x2000  }
0xd5: {  	[sflag:s20] =	ssyncset.done $0x0  }
0xd6: {  	s9 =	rddreg [dreg:$0xa];
	[sflag:s20] =	ssyncadd.s32 $0xFFFFE000  }
0xd7: {  	[spmem:s2] =	stream.indirect.scatter.add.f32 [tilespmem:s16], [sflag:$0x8], $0x80, s9, s12, $0xb8;
	[tilespmem:$0x1D000] =	vst v63  }
0xd8: {  	_ =	swait.ge [sflag:s21], $0x2000  }
0xd9: {  	[sflag:s21] =	ssyncset.done $0x0  }
0xda: {  	s9 =	rddreg [dreg:$0xb];
	[sflag:s21] =	ssyncadd.s32 $0xFFFFE000  }
0xdb: {  	[tilespmem:s13], [sflag:$0x1] =	stream.indirect.gather [hbm4b:s4+s12], $0x80, s9, s12, $0xb8;
	[tilespmem:$0x1D000] =	vst v63  }
0xdc: {  	_ =	swait.ge [sflag:s22], $0x2000  }
0xdd: {  	[sflag:s22] =	ssyncset.done $0x0  }
0xde: {  	s9 =	rddreg [dreg:$0xc];
	[sflag:s22] =	ssyncadd.s32 $0xFFFFE000  }
0xdf: {  	[tilespmem:s14], [sflag:$0x2] =	stream.indirect.gather [hbm4b:s4+s12], $0x80, s9, s12, $0xb8;
	[tilespmem:$0x1D000] =	vst v63  }
0xe0: {  	_ =	swait.ge [sflag:s23], $0x2000  }
0xe1: {  	[sflag:s23] =	ssyncset.done $0x0  }
0xe2: {  	s9 =	rddreg [dreg:$0xd];
	[sflag:s23] =	ssyncadd.s32 $0xFFFFE000  }
0xe3: {  	[tilespmem:s15], [sflag:$0x3] =	stream.indirect.gather [hbm4b:s4+s12], $0x80, s9, s12, $0xb8;
	[tilespmem:$0x1D000] =	vst v63  }
0xe4: {  	_ =	swait.ge [sflag:s24], $0x2000  }
0xe5: {  	[sflag:s24] =	ssyncset.done $0x0  }
0xe6: {  	s9 =	rddreg [dreg:$0xe];
	[sflag:s24] =	ssyncadd.s32 $0xFFFFE000  }
0xe7: {  	[tilespmem:s16], [sflag:$0x4] =	stream.indirect.gather [hbm4b:s4+s12], $0x80, s9, s12, $0xb8;
	[tilespmem:$0x1D000] =	vst v63  }
0xe8: {  	_ =	swait.ge [sflag:s17], $0x2000  }
0xe9: {  	[sflag:s17] =	ssyncset.done $0x0  }
0xea: {  	s9 =	rddreg [dreg:$0xf];
	[sflag:s17] =	ssyncadd.s32 $0xFFFFE000  }
0xeb: {  	[spmem:s2] =	stream.indirect.scatter.add.f32 [tilespmem:s13], [sflag:$0x5], $0x80, s9, s12, $0xb8;
	[tilespmem:$0x1D000] =	vst v63  }
0xec: {  	_ =	swait.ge [sflag:s18], $0x2000  }
0xed: {  	[sflag:s18] =	ssyncset.done $0x0  }
0xee: {  	s9 =	rddreg [dreg:$0x10];
	[sflag:s18] =	ssyncadd.s32 $0xFFFFE000  }
0xef: {  	[spmem:s2] =	stream.indirect.scatter.add.f32 [tilespmem:s14], [sflag:$0x6], $0x80, s9, s12, $0xb8;
	[tilespmem:$0x1D000] =	vst v63  }
0xf0: {  	_ =	swait.ge [sflag:s19], $0x2000  }
0xf1: {  	[sflag:s19] =	ssyncset.done $0x0  }
0xf2: {  	s9 =	rddreg [dreg:$0x11];
	[sflag:s19] =	ssyncadd.s32 $0xFFFFE000  }
0xf3: {  	[spmem:s2] =	stream.indirect.scatter.add.f32 [tilespmem:s15], [sflag:$0x7], $0x80, s9, s12, $0xb8;
	[tilespmem:$0x1D000] =	vst v63  }
0xf4: {  	_ =	swait.ge [sflag:s20], $0x2000  }
0xf5: {  	[sflag:s20] =	ssyncset.done $0x0  }
0xf6: {  	s9 =	rddreg [dreg:$0x12];
	[sflag:s20] =	ssyncadd.s32 $0xFFFFE000  }
0xf7: {  	[spmem:s2] =	stream.indirect.scatter.add.f32 [tilespmem:s16], [sflag:$0x8], $0x80, s9, s12, $0xb8;
	[tilespmem:$0x1D000] =	vst v63  }
0xf8: {  	_ =	swait.ge [sflag:s21], $0x2000  }
0xf9: {  	[sflag:s21] =	ssyncset.done $0x0  }
0xfa: {  	s9 =	rddreg [dreg:$0x13];
	[sflag:s21] =	ssyncadd.s32 $0xFFFFE000  }
0xfb: {  	[tilespmem:s13], [sflag:$0x1] =	stream.indirect.gather [hbm4b:s4+s12], $0x80, s9, s12, $0xb8;
	[tilespmem:$0x1D000] =	vst v63  }
0xfc: {  	_ =	swait.ge [sflag:s22], $0x2000  }
0xfd: {  	[sflag:s22] =	ssyncset.done $0x0  }
0xfe: {  	s9 =	rddreg [dreg:$0x14];
	[sflag:s22] =	ssyncadd.s32 $0xFFFFE000  }
0xff: {  	[tilespmem:s14], [sflag:$0x2] =	stream.indirect.gather [hbm4b:s4+s12], $0x80, s9, s12, $0xb8;
	[tilespmem:$0x1D000] =	vst v63  }
0x100: {  	_ =	swait.ge [sflag:s23], $0x2000  }
0x101: {  	[sflag:s23] =	ssyncset.done $0x0  }
0x102: {  	s9 =	rddreg [dreg:$0x15];
	[sflag:s23] =	ssyncadd.s32 $0xFFFFE000  }
0x103: {  	[tilespmem:s15], [sflag:$0x3] =	stream.indirect.gather [hbm4b:s4+s12], $0x80, s9, s12, $0xb8;
	[tilespmem:$0x1D000] =	vst v63  }
0x104: {  	_ =	swait.ge [sflag:s24], $0x2000  }
0x105: {  	[sflag:s24] =	ssyncset.done $0x0  }
0x106: {  	s9 =	rddreg [dreg:$0x16];
	[sflag:s24] =	ssyncadd.s32 $0xFFFFE000  }
0x107: {  	[tilespmem:s16], [sflag:$0x4] =	stream.indirect.gather [hbm4b:s4+s12], $0x80, s9, s12, $0xb8;
	[tilespmem:$0x1D000] =	vst v63  }
0x108: {  	_ =	swait.ge [sflag:s17], $0x2000  }
0x109: {  	[sflag:s17] =	ssyncset.done $0x0  }
0x10a: {  	s9 =	rddreg [dreg:$0x17];
	[sflag:s17] =	ssyncadd.s32 $0xFFFFE000  }
0x10b: {  	[spmem:s2] =	stream.indirect.scatter.add.f32 [tilespmem:s13], [sflag:$0x5], $0x80, s9, s12, $0xb8;
	[tilespmem:$0x1D000] =	vst v63  }
0x10c: {  	_ =	swait.ge [sflag:s18], $0x2000  }
0x10d: {  	[sflag:s18] =	ssyncset.done $0x0  }
0x10e: {  	s9 =	rddreg [dreg:$0x18];
	[sflag:s18] =	ssyncadd.s32 $0xFFFFE000  }
0x10f: {  	[spmem:s2] =	stream.indirect.scatter.add.f32 [tilespmem:s14], [sflag:$0x6], $0x80, s9, s12, $0xb8;
	[tilespmem:$0x1D000] =	vst v63  }
0x110: {  	_ =	swait.ge [sflag:s19], $0x2000  }
0x111: {  	[sflag:s19] =	ssyncset.done $0x0  }
0x112: {  	s9 =	rddreg [dreg:$0x19];
	[sflag:s19] =	ssyncadd.s32 $0xFFFFE000  }
0x113: {  	[spmem:s2] =	stream.indirect.scatter.add.f32 [tilespmem:s15], [sflag:$0x7], $0x80, s9, s12, $0xb8;
	[tilespmem:$0x1D000] =	vst v63  }
0x114: {  	_ =	swait.ge [sflag:s20], $0x2000  }
0x115: {  	[sflag:s20] =	ssyncset.done $0x0  }
0x116: {  	[sflag:s20] =	ssyncadd.s32 $0xFFFFE000  }
0x117: {  	[spmem:s2] =	stream.indirect.scatter.add.f32 [tilespmem:s16], [sflag:$0x8], $0x80, s25, s12, $0xb8;
	[tilespmem:$0x1D000] =	vst v63  }
0x118: {  	_ =	swait.ge [sflag:s21], $0x2000  }
0x119: {  	[sflag:s21] =	ssyncset.done $0x0  }
0x11a: {  	[sflag:s21] =	ssyncadd.s32 $0xFFFFE000  }
0x11b: {  	[tilespmem:s13], [sflag:$0x1] =	stream.indirect.gather [hbm4b:s4+s12], $0x80, s26, s12, $0xb8;
	[tilespmem:$0x1D000] =	vst v63  }
0x11c: {  	_ =	swait.ge [sflag:s22], $0x2000  }
0x11d: {  	[sflag:s22] =	ssyncset.done $0x0  }
0x11e: {  	[sflag:s22] =	ssyncadd.s32 $0xFFFFE000  }
0x11f: {  	[tilespmem:s14], [sflag:$0x2] =	stream.indirect.gather [hbm4b:s4+s12], $0x80, s28, s12, $0xb8;
	[tilespmem:$0x1D000] =	vst v63  }
0x120: {  	_ =	swait.ge [sflag:s23], $0x2000  }
0x121: {  	[sflag:s23] =	ssyncset.done $0x0  }
0x122: {  	[sflag:s23] =	ssyncadd.s32 $0xFFFFE000  }
0x123: {  	[tilespmem:s15], [sflag:$0x3] =	stream.indirect.gather [hbm4b:s4+s12], $0x80, s29, s12, $0xb8;
	[tilespmem:$0x1D000] =	vst v63  }
0x124: {  	_ =	swait.ge [sflag:s24], $0x2000  }
0x125: {  	[sflag:s24] =	ssyncset.done $0x0  }
0x126: {  	[sflag:s24] =	ssyncadd.s32 $0xFFFFE000  }
0x127: {  	[tilespmem:s16], [sflag:$0x4] =	stream.indirect.gather [hbm4b:s4+s12], $0x80, s30, s12, $0xb8;
	[tilespmem:$0x1D000] =	vst v63  }
0x128: {  	_ =	swait.ge [sflag:s17], $0x2000  }
0x129: {  	[sflag:s17] =	ssyncset.done $0x0  }
0x12a: {  	[sflag:s17] =	ssyncadd.s32 $0xFFFFE000  }
0x12b: {  	[spmem:s2] =	stream.indirect.scatter.add.f32 [tilespmem:s13], [sflag:$0x5], $0x80, s31, s12, $0xb8;
	[tilespmem:$0x1D000] =	vst v63  }
0x12c: {  	_ =	swait.ge [sflag:s18], $0x2000  }
0x12d: {  	[sflag:s18] =	ssyncset.done $0x0  }
0x12e: {  	[sflag:s18] =	ssyncadd.s32 $0xFFFFE000  }
0x12f: {  	[spmem:s2] =	stream.indirect.scatter.add.f32 [tilespmem:s14], [sflag:$0x6], $0x80, s1, s12, $0xb8;
	[tilespmem:$0x1D000] =	vst v63  }
0x130: {  	_ =	swait.ge [sflag:s19], $0x2000  }
0x131: {  	[sflag:s19] =	ssyncset.done $0x0  }
0x132: {  	[sflag:s19] =	ssyncadd.s32 $0xFFFFE000  }
0x133: {  	[spmem:s2] =	stream.indirect.scatter.add.f32 [tilespmem:s15], [sflag:$0x7], $0x80, s0, s12, $0xb8;
	[tilespmem:$0x1D000] =	vst v63  }
0x134: {  	_ =	swait.ge [sflag:s20], $0x2000  }
0x135: {  	[sflag:s20] =	ssyncset.done $0x0  }
0x136: {  	[sflag:s20] =	ssyncadd.s32 $0xFFFFE000  }
0x137: {  	[spmem:s2] =	stream.indirect.scatter.add.f32 [tilespmem:s16], [sflag:$0x8], $0x80, s5, s12, $0xb8;
	[tilespmem:$0x1D000] =	vst v63  }
0x138: {  	_ =	swait.ge [sflag:s21], $0x2000  }
0x139: {  	[sflag:s21] =	ssyncset.done $0x0  }
0x13a: {  	[sflag:s21] =	ssyncadd.s32 $0xFFFFE000  }
0x13b: {  	_ =	swait.ge [sflag:s22], $0x2000  }
0x13c: {  	[sflag:s22] =	ssyncset.done $0x0  }
0x13d: {  	p0 =	sne.s32 s6, $0x900;
	[sflag:s22] =	ssyncadd.s32 $0xFFFFE000  }
.Ltmp0:
0x13e: {  	_ =	swait.ge [sflag:s23], $0x2000;
	(pc) =	sbr.rel @p0 .LBB2_2-.Ltmp0, $4  }
0x13f: {  	[sflag:s23] =	ssyncset.done $0x0  }
0x140: {  	[sflag:s23] =	ssyncadd.s32 $0xFFFFE000  }
0x141: {  	_ =	swait.ge [sflag:s24], $0x2000  }
0x142: {  	s6 =	sadd.s32 $0x100, s6;
	s9 =	rddreg [dreg:$0x4];
	[sflag:s24] =	ssyncset.done $0x0  }
0x143: {  	[sflag:s24] =	ssyncadd.s32 $0xFFFFE000;
	s6 =	sadd.s32 s8, s9  }
0x144: {  	[tilespmem:s3], [sflag:$0x9] =	stream.linear.gather [hbm4b:s6+s3], $0x800, $0x38;
	[tilespmem:$0x1D000] =	vst v63  }
0x145: {  	_ =	swait.ge [sflag:s10], $0x800  }
0x146: {  	s7 =	rddreg [dreg:$0x3];
	[sflag:s10] =	ssyncset.done $0x0  }
0x147: {  	[sflag:s10] =	ssyncadd.s32 $0xFFFFF800;
	s6 =	sadd.s32 s8, s7  }
0x148: {  	[tilespmem:s11], [sflag:$0x9] =	stream.linear.gather [hbm4b:s6+s3], $0x800, $0x38;
	[tilespmem:$0x1D000] =	vst v63  }
0x149: {  	_ =	swait.ge [sflag:s10], $0x800  }
0x14a: {  	[sflag:s10] =	ssyncset.done $0x0  }
0x14b: {  	[sflag:s10] =	ssyncadd.s32 $0xFFFFF800  }
0x14c: {  	[tilespmem:s13], [sflag:$0x1] =	stream.indirect.gather [hbm4b:s4+s12], $0x80, s3, s12, $0xb8;
	[tilespmem:$0x1D000] =	vst v63  }
0x14d: {  	s9 =	rddreg [dreg:$0x5]  }
0x14e: {  	[tilespmem:s14], [sflag:$0x2] =	stream.indirect.gather [hbm4b:s4+s12], $0x80, s9, s12, $0xb8;
	[tilespmem:$0x1D000] =	vst v63  }
0x14f: {  	s7 =	rddreg [dreg:$0x6]  }
0x150: {  	[tilespmem:s15], [sflag:$0x3] =	stream.indirect.gather [hbm4b:s4+s12], $0x80, s7, s12, $0xb8;
	[tilespmem:$0x1D000] =	vst v63  }
0x151: {  	s8 =	rddreg [dreg:$0x7]  }
0x152: {  	[tilespmem:s16], [sflag:$0x4] =	stream.indirect.gather [hbm4b:s4+s12], $0x80, s8, s12, $0xb8;
	[tilespmem:$0x1D000] =	vst v63  }
0x153: {  	_ =	swait.ge [sflag:s17], $0x2000  }
0x154: {  	[sflag:s17] =	ssyncset.done $0x0  }
0x155: {  	[sflag:s17] =	ssyncadd.s32 $0xFFFFE000  }
0x156: {  	[spmem:s2] =	stream.indirect.scatter.add.f32 [tilespmem:s13], [sflag:$0x5], $0x80, s11, s12, $0xb8;
	[tilespmem:$0x1D000] =	vst v63  }
0x157: {  	_ =	swait.ge [sflag:s18], $0x2000  }
0x158: {  	[sflag:s18] =	ssyncset.done $0x0  }
0x159: {  	s9 =	rddreg [dreg:$0x8];
	[sflag:s18] =	ssyncadd.s32 $0xFFFFE000  }
0x15a: {  	[spmem:s2] =	stream.indirect.scatter.add.f32 [tilespmem:s14], [sflag:$0x6], $0x80, s9, s12, $0xb8;
	[tilespmem:$0x1D000] =	vst v63  }
0x15b: {  	_ =	swait.ge [sflag:s19], $0x2000  }
0x15c: {  	[sflag:s19] =	ssyncset.done $0x0  }
0x15d: {  	s7 =	rddreg [dreg:$0x9];
	[sflag:s19] =	ssyncadd.s32 $0xFFFFE000  }
0x15e: {  	[spmem:s2] =	stream.indirect.scatter.add.f32 [tilespmem:s15], [sflag:$0x7], $0x80, s7, s12, $0xb8;
	[tilespmem:$0x1D000] =	vst v63  }
0x15f: {  	_ =	swait.ge [sflag:s20], $0x2000  }
0x160: {  	[sflag:s20] =	ssyncset.done $0x0  }
0x161: {  	s8 =	rddreg [dreg:$0xa];
	[sflag:s20] =	ssyncadd.s32 $0xFFFFE000  }
0x162: {  	[spmem:s2] =	stream.indirect.scatter.add.f32 [tilespmem:s16], [sflag:$0x8], $0x80, s8, s12, $0xb8;
	[tilespmem:$0x1D000] =	vst v63  }
0x163: {  	_ =	swait.ge [sflag:s21], $0x2000  }
0x164: {  	[sflag:s21] =	ssyncset.done $0x0  }
0x165: {  	s9 =	rddreg [dreg:$0xb];
	[sflag:s21] =	ssyncadd.s32 $0xFFFFE000  }
0x166: {  	[tilespmem:s13], [sflag:$0x1] =	stream.indirect.gather [hbm4b:s4+s12], $0x80, s9, s12, $0xb8;
	[tilespmem:$0x1D000] =	vst v63  }
0x167: {  	_ =	swait.ge [sflag:s22], $0x2000  }
0x168: {  	[sflag:s22] =	ssyncset.done $0x0  }
0x169: {  	s7 =	rddreg [dreg:$0xc];
	[sflag:s22] =	ssyncadd.s32 $0xFFFFE000  }
0x16a: {  	[tilespmem:s14], [sflag:$0x2] =	stream.indirect.gather [hbm4b:s4+s12], $0x80, s7, s12, $0xb8;
	[tilespmem:$0x1D000] =	vst v63  }
0x16b: {  	_ =	swait.ge [sflag:s23], $0x2000  }
0x16c: {  	[sflag:s23] =	ssyncset.done $0x0  }
0x16d: {  	s8 =	rddreg [dreg:$0xd];
	[sflag:s23] =	ssyncadd.s32 $0xFFFFE000  }
0x16e: {  	[tilespmem:s15], [sflag:$0x3] =	stream.indirect.gather [hbm4b:s4+s12], $0x80, s8, s12, $0xb8;
	[tilespmem:$0x1D000] =	vst v63  }
0x16f: {  	_ =	swait.ge [sflag:s24], $0x2000  }
0x170: {  	[sflag:s24] =	ssyncset.done $0x0  }
0x171: {  	s9 =	rddreg [dreg:$0xe];
	[sflag:s24] =	ssyncadd.s32 $0xFFFFE000  }
0x172: {  	[tilespmem:s16], [sflag:$0x4] =	stream.indirect.gather [hbm4b:s4+s12], $0x80, s9, s12, $0xb8;
	[tilespmem:$0x1D000] =	vst v63  }
0x173: {  	_ =	swait.ge [sflag:s17], $0x2000  }
0x174: {  	[sflag:s17] =	ssyncset.done $0x0  }
0x175: {  	s7 =	rddreg [dreg:$0xf];
	[sflag:s17] =	ssyncadd.s32 $0xFFFFE000  }
0x176: {  	[spmem:s2] =	stream.indirect.scatter.add.f32 [tilespmem:s13], [sflag:$0x5], $0x80, s7, s12, $0xb8;
	[tilespmem:$0x1D000] =	vst v63  }
0x177: {  	_ =	swait.ge [sflag:s18], $0x2000  }
0x178: {  	[sflag:s18] =	ssyncset.done $0x0  }
0x179: {  	s8 =	rddreg [dreg:$0x10];
	[sflag:s18] =	ssyncadd.s32 $0xFFFFE000  }
0x17a: {  	[spmem:s2] =	stream.indirect.scatter.add.f32 [tilespmem:s14], [sflag:$0x6], $0x80, s8, s12, $0xb8;
	[tilespmem:$0x1D000] =	vst v63  }
0x17b: {  	_ =	swait.ge [sflag:s19], $0x2000  }
0x17c: {  	[sflag:s19] =	ssyncset.done $0x0  }
0x17d: {  	s9 =	rddreg [dreg:$0x11];
	[sflag:s19] =	ssyncadd.s32 $0xFFFFE000  }
0x17e: {  	[spmem:s2] =	stream.indirect.scatter.add.f32 [tilespmem:s15], [sflag:$0x7], $0x80, s9, s12, $0xb8;
	[tilespmem:$0x1D000] =	vst v63  }
0x17f: {  	_ =	swait.ge [sflag:s20], $0x2000  }
0x180: {  	[sflag:s20] =	ssyncset.done $0x0  }
0x181: {  	s7 =	rddreg [dreg:$0x12];
	[sflag:s20] =	ssyncadd.s32 $0xFFFFE000  }
0x182: {  	[spmem:s2] =	stream.indirect.scatter.add.f32 [tilespmem:s16], [sflag:$0x8], $0x80, s7, s12, $0xb8;
	[tilespmem:$0x1D000] =	vst v63  }
0x183: {  	_ =	swait.ge [sflag:s21], $0x2000  }
0x184: {  	[sflag:s21] =	ssyncset.done $0x0  }
0x185: {  	s8 =	rddreg [dreg:$0x13];
	[sflag:s21] =	ssyncadd.s32 $0xFFFFE000  }
0x186: {  	[tilespmem:s13], [sflag:$0x1] =	stream.indirect.gather [hbm4b:s4+s12], $0x80, s8, s12, $0xb8;
	[tilespmem:$0x1D000] =	vst v63  }
0x187: {  	_ =	swait.ge [sflag:s22], $0x2000  }
0x188: {  	[sflag:s22] =	ssyncset.done $0x0  }
0x189: {  	s9 =	rddreg [dreg:$0x14];
	[sflag:s22] =	ssyncadd.s32 $0xFFFFE000  }
0x18a: {  	[tilespmem:s14], [sflag:$0x2] =	stream.indirect.gather [hbm4b:s4+s12], $0x80, s9, s12, $0xb8;
	[tilespmem:$0x1D000] =	vst v63  }
0x18b: {  	_ =	swait.ge [sflag:s23], $0x2000  }
0x18c: {  	[sflag:s23] =	ssyncset.done $0x0  }
0x18d: {  	s7 =	rddreg [dreg:$0x15];
	[sflag:s23] =	ssyncadd.s32 $0xFFFFE000  }
0x18e: {  	[tilespmem:s15], [sflag:$0x3] =	stream.indirect.gather [hbm4b:s4+s12], $0x80, s7, s12, $0xb8;
	[tilespmem:$0x1D000] =	vst v63  }
0x18f: {  	_ =	swait.ge [sflag:s24], $0x2000  }
0x190: {  	[sflag:s24] =	ssyncset.done $0x0  }
0x191: {  	s8 =	rddreg [dreg:$0x16];
	[sflag:s24] =	ssyncadd.s32 $0xFFFFE000  }
0x192: {  	[tilespmem:s16], [sflag:$0x4] =	stream.indirect.gather [hbm4b:s4+s12], $0x80, s8, s12, $0xb8;
	[tilespmem:$0x1D000] =	vst v63  }
0x193: {  	_ =	swait.ge [sflag:s17], $0x2000  }
0x194: {  	[sflag:s17] =	ssyncset.done $0x0  }
0x195: {  	s9 =	rddreg [dreg:$0x17];
	[sflag:s17] =	ssyncadd.s32 $0xFFFFE000  }
0x196: {  	[spmem:s2] =	stream.indirect.scatter.add.f32 [tilespmem:s13], [sflag:$0x5], $0x80, s9, s12, $0xb8;
	[tilespmem:$0x1D000] =	vst v63  }
0x197: {  	_ =	swait.ge [sflag:s18], $0x2000  }
0x198: {  	[sflag:s18] =	ssyncset.done $0x0  }
0x199: {  	s7 =	rddreg [dreg:$0x18];
	[sflag:s18] =	ssyncadd.s32 $0xFFFFE000  }
0x19a: {  	[spmem:s2] =	stream.indirect.scatter.add.f32 [tilespmem:s14], [sflag:$0x6], $0x80, s7, s12, $0xb8;
	[tilespmem:$0x1D000] =	vst v63  }
0x19b: {  	_ =	swait.ge [sflag:s19], $0x2000  }
0x19c: {  	[sflag:s19] =	ssyncset.done $0x0  }
0x19d: {  	s8 =	rddreg [dreg:$0x19];
	[sflag:s19] =	ssyncadd.s32 $0xFFFFE000  }
0x19e: {  	[spmem:s2] =	stream.indirect.scatter.add.f32 [tilespmem:s15], [sflag:$0x7], $0x80, s8, s12, $0xb8;
	[tilespmem:$0x1D000] =	vst v63  }
0x19f: {  	_ =	swait.ge [sflag:s20], $0x2000  }
0x1a0: {  	[sflag:s20] =	ssyncset.done $0x0  }
0x1a1: {  	[sflag:s20] =	ssyncadd.s32 $0xFFFFE000  }
0x1a2: {  	[spmem:s2] =	stream.indirect.scatter.add.f32 [tilespmem:s16], [sflag:$0x8], $0x80, s25, s12, $0xb8;
	[tilespmem:$0x1D000] =	vst v63  }
0x1a3: {  	_ =	swait.ge [sflag:s21], $0x2000  }
0x1a4: {  	[sflag:s21] =	ssyncset.done $0x0  }
0x1a5: {  	[sflag:s21] =	ssyncadd.s32 $0xFFFFE000  }
0x1a6: {  	[tilespmem:s13], [sflag:$0x1] =	stream.indirect.gather [hbm4b:s4+s12], $0x80, s26, s12, $0xb8;
	[tilespmem:$0x1D000] =	vst v63  }
0x1a7: {  	_ =	swait.ge [sflag:s22], $0x2000  }
0x1a8: {  	[sflag:s22] =	ssyncset.done $0x0  }
0x1a9: {  	[sflag:s22] =	ssyncadd.s32 $0xFFFFE000  }
0x1aa: {  	[tilespmem:s14], [sflag:$0x2] =	stream.indirect.gather [hbm4b:s4+s12], $0x80, s28, s12, $0xb8;
	[tilespmem:$0x1D000] =	vst v63  }
0x1ab: {  	_ =	swait.ge [sflag:s23], $0x2000  }
0x1ac: {  	[sflag:s23] =	ssyncset.done $0x0  }
0x1ad: {  	[sflag:s23] =	ssyncadd.s32 $0xFFFFE000  }
0x1ae: {  	[tilespmem:s15], [sflag:$0x3] =	stream.indirect.gather [hbm4b:s4+s12], $0x80, s29, s12, $0xb8;
	[tilespmem:$0x1D000] =	vst v63  }
0x1af: {  	_ =	swait.ge [sflag:s24], $0x2000  }
0x1b0: {  	[sflag:s24] =	ssyncset.done $0x0  }
0x1b1: {  	[sflag:s24] =	ssyncadd.s32 $0xFFFFE000  }
0x1b2: {  	[tilespmem:s16], [sflag:$0x4] =	stream.indirect.gather [hbm4b:s4+s12], $0x80, s30, s12, $0xb8;
	[tilespmem:$0x1D000] =	vst v63  }
0x1b3: {  	_ =	swait.ge [sflag:s17], $0x2000  }
0x1b4: {  	[sflag:s17] =	ssyncset.done $0x0  }
0x1b5: {  	[sflag:s17] =	ssyncadd.s32 $0xFFFFE000  }
0x1b6: {  	[spmem:s2] =	stream.indirect.scatter.add.f32 [tilespmem:s13], [sflag:$0x5], $0x80, s31, s12, $0xb8;
	[tilespmem:$0x1D000] =	vst v63  }
0x1b7: {  	_ =	swait.ge [sflag:s18], $0x2000  }
0x1b8: {  	[sflag:s18] =	ssyncset.done $0x0  }
0x1b9: {  	[sflag:s18] =	ssyncadd.s32 $0xFFFFE000  }
0x1ba: {  	[spmem:s2] =	stream.indirect.scatter.add.f32 [tilespmem:s14], [sflag:$0x6], $0x80, s1, s12, $0xb8;
	[tilespmem:$0x1D000] =	vst v63  }
0x1bb: {  	_ =	swait.ge [sflag:s19], $0x2000  }
0x1bc: {  	[sflag:s19] =	ssyncset.done $0x0  }
0x1bd: {  	[sflag:s19] =	ssyncadd.s32 $0xFFFFE000  }
0x1be: {  	[spmem:s2] =	stream.indirect.scatter.add.f32 [tilespmem:s15], [sflag:$0x7], $0x80, s0, s12, $0xb8;
	[tilespmem:$0x1D000] =	vst v63  }
0x1bf: {  	_ =	swait.ge [sflag:s20], $0x2000  }
0x1c0: {  	[sflag:s20] =	ssyncset.done $0x0  }
0x1c1: {  	[sflag:s20] =	ssyncadd.s32 $0xFFFFE000  }
0x1c2: {  	[spmem:s2] =	stream.indirect.scatter.add.f32 [tilespmem:s16], [sflag:$0x8], $0x80, s5, s12, $0xb8;
	[tilespmem:$0x1D000] =	vst v63  }
0x1c3: {  	_ =	swait.ge [sflag:s21], $0x2000  }
0x1c4: {  	[sflag:s21] =	ssyncset.done $0x0  }
0x1c5: {  	[sflag:s21] =	ssyncadd.s32 $0xFFFFE000  }
0x1c6: {  	_ =	swait.ge [sflag:s22], $0x2000  }
0x1c7: {  	[sflag:s22] =	ssyncset.done $0x0  }
0x1c8: {  	[sflag:s22] =	ssyncadd.s32 $0xFFFFE000  }
0x1c9: {  	_ =	swait.ge [sflag:s23], $0x2000  }
0x1ca: {  	[sflag:s23] =	ssyncset.done $0x0  }
0x1cb: {  	[sflag:s23] =	ssyncadd.s32 $0xFFFFE000  }
0x1cc: {  	_ =	swait.ge [sflag:s24], $0x2000  }
0x1cd: {  	[sflag:s24] =	ssyncset.done $0x0  }
0x1ce: {  	[sflag:s24] =	ssyncadd.s32 $0xFFFFE000  }
0x1cf: {  	[bflag:$0x0] =	sbarrier.arrive $0xFFFF  }
0x1d0: {  	s7 =	rddreg [dreg:$0x1b]  }
0x1d1: {  	s9 =	rddreg [dreg:$0x1c]  }
0x1d2: {  	s8 =	rddreg [dreg:$0x1e]  }
0x1d3: {  	[hbm:s9], [sflag:s7] =	dma.local [spmem:s8], $0x2800  }
0x1d4: {  	_ =	swait.ge [sflag:s10], $0x2800  }
0x1d5: {  	s6 =	rddreg [dreg:$0x1f]  }
0x1d6: {  	s9 =	sadd.s32 $0x1, s6;
	s6 =	rddreg [dreg:$0x1d]  }
0x1d7: {  	p0 =	sne.s32 s9, s6  }
.Ltmp1:
0x1d8: {  	_ = 	snop;
	(pc) =	sbr.rel @p0 .LBB2_1-.Ltmp1, $3  }
0x1d9: {  	_ =	sdelay $0x1  }
0x1da: {  	[sflag:s10] =	ssyncset.done $0x0  }
0x1db: {  	[sflag:s10] =	ssyncadd.s32 $0xFFFFD800  }
0x1dc: {  	_ =	sfence.sel $0x180000  }
0x1dd: {  	[bflag:$0x0] =	sbarrier.arrive $0xFFFF  }
0x1de: {  	_ =	strace $0x9000004A  }
0x1df: {  	s0 =	stileid.u32;
	[bflag:$0x2] =	sbarrier.arrive $0xFFFF  }
0x1e0: {  	p0 =	sne.s32 s0, $0x0;
	s0 =	rddreg [dreg:$0x2]  }
0x1e1: {  	s0 =	sadd.s32 @!p0 $0x100000, s0  }
0x1e2: {  	[sflag:s0] =	ssyncadd.tile.s32 @!p0 $0x1;
	_ =	shalt  }
.Lfunc_end2:
_tile_overlayer_lowered:
.L_overlay_start_2:
0x1e3: {  	(tag) =	ssettag $0x2  }
0x1e4: {  	s0 =	rddreg [dreg:$0x0];
	s2 =	stileid.u32  }
0x1e5: {  	s1 =	rddreg [dreg:$0x1];
	p0 =	sne.s32 s2, $0x0  }
0x1e6: {  	s3 =	rddreg [dreg:$0x2];
	[bflag:$0x3] =	sbarrier.arrive $0xFFFF;
	s2 =	simm.s32 @!p0 $0x1C09  }
0x1e7: {  	[timem:s3], [sflag:s2] =	dma.local @!p0 [hbm:s0], s1  }
0x1e8: {  	s0 =	simm.s32 @!p0 $0x9  }
0x1e9: {  	_ =	swait.ge @!p0 [sflag:s0], s1  }
0x1ea: {  	s1 =	ssub.s32 @!p0 $0x0, s1;
	[sflag:s0] =	ssyncset.done @!p0 $0x0  }
0x1eb: {  	[sflag:s0] =	ssyncadd.s32 @!p0 s1  }
0x1ec: {  	[bflag:$0x3] =	sbarrier.arrive $0xFFFF  }
0x1ed: {  	_ =	shalt  }

</sc_bundles>
